<compile_context>
chip_gen: v7x
topology: tpu7x:2x2x1
jax: 0.10.2.dev20260603
libtpu: 0.0.44.dev20260713+nightly
codegen_flags: <defaults>
</compile_context>

<pallas_src>
import functools

import jax
import jax.numpy as jnp
from jax import lax
from jax.experimental import pallas as pl
from jax.experimental.pallas import tpu as pltpu
from jax.experimental.pallas import tpu_sc as plsc

N = 2048
KX = 16
KE = 8
H = 128

ROWS_PER_STEP = 2
NUM_WORKERS = 32
ROWS_PER_WORKER = N // NUM_WORKERS


def _edge_mlp_body(e_ref, w1_ref, b1_ref, w2_ref, b2_ref, p_ref):
    e = e_ref[...]
    h = jnp.dot(e, w1_ref[...], preferred_element_type=jnp.float32)
    h = jnp.maximum(h + b1_ref[...], 0.0)
    logits = jnp.dot(h, w2_ref[...], preferred_element_type=jnp.float32)
    logits = logits + b2_ref[...]
    m = jnp.max(logits, axis=-1, keepdims=True)
    ex = jnp.exp(logits - m)
    p_ref[...] = ex / jnp.sum(ex, axis=-1, keepdims=True)


def _edge_mlp(e_flat, w1, b1, w2, b2):
    grid = (N // ROWS_PER_STEP,)
    return pl.pallas_call(
        _edge_mlp_body,
        grid=grid,
        in_specs=[
            pl.BlockSpec((ROWS_PER_STEP * N, KE), lambda i: (i, 0)),
            pl.BlockSpec((KE, H), lambda i: (0, 0)),
            pl.BlockSpec((1, H), lambda i: (0, 0)),
            pl.BlockSpec((H, KE), lambda i: (0, 0)),
            pl.BlockSpec((1, KE), lambda i: (0, 0)),
        ],
        out_specs=pl.BlockSpec((ROWS_PER_STEP * N, KE), lambda i: (i, 0)),
        out_shape=jax.ShapeDtypeStruct((N * N, KE), jnp.float32),
    )(e_flat, w1, b1, w2, b2)


def _order_body(degs_ref, x_ref, w1_ref, b1_ref, w2_ref, b2_ref,
                order_ref, pxo_ref, dcol_ref, drow_ref, pos_ref):
    degs = degs_ref[...]
    dcol_ref[...] = degs
    drow_ref[...] = degs.T

    hx = jnp.dot(x_ref[...], w1_ref[...], preferred_element_type=jnp.float32)
    hx = jnp.maximum(hx + b1_ref[...], 0.0)
    lx = jnp.dot(hx, w2_ref[...], preferred_element_type=jnp.float32)
    lx = lx + b2_ref[...]
    mx = jnp.max(lx, axis=-1, keepdims=True)
    exx = jnp.exp(lx - mx)
    px = exx / jnp.sum(exx, axis=-1, keepdims=True)

    j_row = lax.broadcasted_iota(jnp.int32, (1, N), 1)
    col = lax.broadcasted_iota(jnp.int32, (128, 1), 0)

    def rank_chunk(c, carry):
        di = dcol_ref[pl.ds(c * 128, 128), :]
        d_row = drow_ref[...]
        ii = col + c * 128
        less = d_row < di
        eq = (d_row == di) & (j_row < ii)
        cnt = jnp.sum((less | eq).astype(jnp.int32), axis=1, keepdims=True)
        pos_ref[pl.ds(c * 128, 128), :] = cnt
        return carry

    lax.fori_loop(0, N // 128, rank_chunk, 0)
    pos_row = pos_ref[...].T

    def invert_chunk(c, carry):
        k_col = col + c * 128
        oh = pos_row == k_col
        order_ref[pl.ds(c * 128, 128), :] = jnp.sum(
            jnp.where(oh, j_row, 0), axis=1, keepdims=True)
        pxo_ref[pl.ds(c * 128, 128), :] = jnp.dot(
            oh.astype(jnp.float32), px,
            precision=lax.Precision.HIGHEST,
            preferred_element_type=jnp.float32)
        return carry

    lax.fori_loop(0, N // 128, invert_chunk, 0)


def _order_and_px(degs2d, x, w1x, b1x, w2x, b2x):
    return pl.pallas_call(
        _order_body,
        out_shape=[
            jax.ShapeDtypeStruct((N, 1), jnp.int32),
            jax.ShapeDtypeStruct((N, KX), jnp.float32),
        ],
        scratch_shapes=[
            pltpu.VMEM((N, 1), jnp.float32),
            pltpu.VMEM((1, N), jnp.float32),
            pltpu.VMEM((N, 1), jnp.int32),
        ],
    )(degs2d, x, w1x, b1x, w2x, b2x)


def _idx_body(order_ref, idx_ref):
    i = pl.program_id(0)
    rows = order_ref[pl.ds(i * 128, 128), :] * N
    idx_ref[...] = rows + order_ref[...].T


def _idx_matrix(order2d):
    return pl.pallas_call(
        _idx_body,
        grid=(N // 128,),
        in_specs=[pl.BlockSpec((N, 1), lambda i: (0, 0))],
        out_specs=pl.BlockSpec((128, N), lambda i: (i, 0)),
        out_shape=jax.ShapeDtypeStruct((N, N), jnp.int32),
    )(order2d)


def _gather_body(pe_hbm, idx_hbm, out_hbm,
                 idx0, idx1, row0, row1, sem0, sem1):
    c = lax.axis_index("c")
    s = lax.axis_index("s")
    wid = s * 2 + c
    base = wid * ROWS_PER_WORKER

    pltpu.sync_copy(idx_hbm.at[base, pl.ds(0, N)], idx0)
    pltpu.async_copy(pe_hbm.at[idx0], row0, sem0)

    def per_row(i, carry):
        even = lax.rem(i, 2) == 0
        row = base + i

        @pl.when(i + 1 < ROWS_PER_WORKER)
        def _prefetch():
            @pl.when(even)
            def _():
                pltpu.sync_copy(idx_hbm.at[row + 1, pl.ds(0, N)], idx1)
                pltpu.async_copy(pe_hbm.at[idx1], row1, sem1)

            @pl.when(jnp.logical_not(even))
            def _():
                pltpu.sync_copy(idx_hbm.at[row + 1, pl.ds(0, N)], idx0)
                pltpu.async_copy(pe_hbm.at[idx0], row0, sem0)

        @pl.when(even)
        def _drain_even():
            pltpu.make_async_copy(pe_hbm.at[idx0], row0, sem0).wait()
            pltpu.sync_copy(row0, out_hbm.at[row])

        @pl.when(jnp.logical_not(even))
        def _drain_odd():
            pltpu.make_async_copy(pe_hbm.at[idx1], row1, sem1).wait()
            pltpu.sync_copy(row1, out_hbm.at[row])

        return carry

    lax.fori_loop(0, ROWS_PER_WORKER, per_row, 0)


@functools.cache
def _double_gather():
    return pl.kernel(
        _gather_body,
        out_type=jax.ShapeDtypeStruct((N, N, KE), jnp.float32),
        mesh=plsc.VectorSubcoreMesh(
            core_axis_name="c", subcore_axis_name="s"),
        compiler_params=pltpu.CompilerParams(use_tc_tiling_on_sc=False),
        scratch_types=[
            pltpu.VMEM((N,), jnp.int32),
            pltpu.VMEM((N,), jnp.int32),
            pltpu.VMEM((N, KE), jnp.float32),
            pltpu.VMEM((N, KE), jnp.float32),
            pltpu.SemaphoreType.DMA,
            pltpu.SemaphoreType.DMA,
        ],
    )


def kernel(X, E, W1x, b1x, W2x, b2x, W1e, b1e, W2e, b2e):
    e_flat = E.reshape(N * N, KE)
    pe_flat = _edge_mlp(e_flat, W1e, b1e.reshape(1, H),
                        W2e, b2e.reshape(1, KE))

    pe3x = jax.nn.softmax(
        jax.nn.relu(E @ W1e + b1e) @ W2e + b2e, axis=-1)
    pe3x = lax.optimization_barrier(pe3x)
    degs2d = jnp.sum(pe3x[..., 1], axis=-1).reshape(N, 1)

    order2d, px_ord = _order_and_px(degs2d, X, W1x, b1x.reshape(1, H),
                                    W2x, b2x.reshape(1, KX))
    idx = _idx_matrix(order2d)
    pe_ord = _double_gather()(pe_flat, idx)
    return px_ord, pe_ord

# --- scband reference (transcript-rebuilt; emitter-appended) ---
"""Pipeline reference for scband-diffusion-model-8005819040013 (READ-ONLY COPY).

The authoritative reference and input builder live on the scoring server;
editing this copy changes nothing except your own understanding.
"""

import jax, jax.numpy as jnp
import numpy as np

N = 2048
KX = 16
KE = 8
H = 128

def setup_inputs(seed: int = 0) -> dict:
    key = jax.random.key(seed)
    ks = jax.random.split(key, 12)
    X = jax.random.normal(ks[0], (N, KX), dtype=jnp.float32)
    E = jax.random.uniform(ks[1], (N, N, KE), dtype=jnp.float32)
    W1x = jax.random.normal(ks[2], (KX, H), dtype=jnp.float32) * (1.0 / np.sqrt(KX))
    b1x = jnp.zeros((H,), dtype=jnp.float32)
    W2x = jax.random.normal(ks[3], (H, KX), dtype=jnp.float32) * (1.0 / np.sqrt(H))
    b2x = jnp.zeros((KX,), dtype=jnp.float32)
    W1e = jax.random.normal(ks[4], (KE, H), dtype=jnp.float32) * (1.0 / np.sqrt(KE))
    b1e = jnp.zeros((H,), dtype=jnp.float32)
    W2e = jax.random.normal(ks[5], (H, KE), dtype=jnp.float32) * (1.0 / np.sqrt(H))
    b2e = jnp.zeros((KE,), dtype=jnp.float32)
    return {"X": X, "E": E, "W1x": W1x, "b1x": b1x, "W2x": W2x, "b2x": b2x, "W1e": W1e, "b1e": b1e, "W2e": W2e, "b2e": b2e}

def reference(X, E, W1x, b1x, W2x, b2x, W1e, b1e, W2e, b2e):
    # denoising_network(graph, key): node MLP + edge MLP with softmax class probs
    hX = jax.nn.relu(X @ W1x + b1x)
    pX = jax.nn.softmax(hX @ W2x + b2x, axis=-1)          # [N, KX]
    hE = jax.nn.relu(E @ W1e + b1e)
    pE = jax.nn.softmax(hE @ W2e + b2e, axis=-1)          # [N, N, KE]
    # make_graph: A = EtoA(pE) = pE[..., 1]
    A = pE[..., 1]                                        # [N, N]
    # order_graph with ordering='degree': degrees then argsort
    degs = jnp.sum(A, axis=-1)                            # [N]
    order = jnp.argsort(degs)                             # [N]
    pX_ord = pX[order]                                    # gather rows
    pE_ord = pE[order][:, order]                          # double permutation gather
    return (pX_ord, pE_ord)

if __name__ == "__main__":
    import jax
    _d = setup_inputs()
    print(jax.jit(kernel)(*tuple(_d.values())))

</pallas_src>

<mosaic_0001>
#map = affine_map<(d0, d1) -> (0, 0)>
#map1 = affine_map<(d0, d1) -> (0, 0, 0)>
module attributes {stable_mosaic.version = 14 : i64} {
  func.func @_gather_body(%arg0: i32, %arg1: i32, %arg2: memref<4194304x8xf32, #tpu.memory_space<hbm>>, %arg3: memref<2048x2048xi32, #tpu.memory_space<hbm>>, %arg4: memref<2048x2048x8xf32, #tpu.memory_space<hbm>>, %arg5: memref<2048xi32, #tpu.memory_space<vmem>>, %arg6: memref<2048xi32, #tpu.memory_space<vmem>>, %arg7: memref<2048x8xf32, #tpu.memory_space<vmem>>, %arg8: memref<2048x8xf32, #tpu.memory_space<vmem>>, %arg9: memref<!tpu.dma_semaphore, #tpu.memory_space<semaphore_mem>>, %arg10: memref<!tpu.dma_semaphore, #tpu.memory_space<semaphore_mem>>) attributes {dimension_semantics = [#tpu.dimension_semantics<core_parallel>, #tpu.dimension_semantics<subcore_parallel>], iteration_bounds = array<i64: 2, 16>, scalar_prefetch = 0 : i64, scratch_operands = 6 : i64, tpu.core_type = #tpu.core_type<sc_vector_subcore>, window_params = [{transform_indices = #map}, {transform_indices = #map}, {transform_indices = #map1}]} {
    %mul3A = arith.constant 2 : i32
    %mul3A_0 = arith.muli %arg1, %mul3A : i32
    %add3A = arith.addi %mul3A_0, %arg0 : i32
    %mul3A_1 = arith.constant 64 : i32
    %mul3A_2 = arith.muli %add3A, %mul3A_1 : i32
    "tpu.region"() ({
      %run_scoped3A = tpu.sem_alloc : memref<!tpu.dma_semaphore, #tpu.memory_space<semaphore_mem>>
      %dma_start3A_10 = arith.constant 0 : i32
      %dma_start3A_11 = tpu.memref_slice %arg3[%mul3A_2, %dma_start3A_10] : memref<2048x2048xi32, #tpu.memory_space<hbm>> -> memref<1x2048xi32, #tpu.memory_space<hbm>>
      %dma_start3A_12 = tpu.memref_squeeze %dma_start3A_11 : memref<1x2048xi32, #tpu.memory_space<hbm>> -> memref<2048xi32, #tpu.memory_space<hbm>>
      %dma_start3A_13 = arith.constant 0 : i32
      %dma_start3A_14 = tpu.memref_slice %arg3[%mul3A_2, %dma_start3A_13] : memref<2048x2048xi32, #tpu.memory_space<hbm>> -> memref<1x2048xi32, #tpu.memory_space<hbm>>
      %dma_start3A_15 = tpu.memref_squeeze %dma_start3A_14 : memref<1x2048xi32, #tpu.memory_space<hbm>> -> memref<2048xi32, #tpu.memory_space<hbm>>
      tpu.enqueue_dma source(%dma_start3A_15 : memref<2048xi32, #tpu.memory_space<hbm>>) target(%arg5 : memref<2048xi32, #tpu.memory_space<vmem>>) target_semaphore(%run_scoped3A : memref<!tpu.dma_semaphore, #tpu.memory_space<semaphore_mem>>)
      %dma_wait3A = arith.constant 0 : i32
      %dma_wait3A_16 = tpu.memref_slice %arg3[%mul3A_2, %dma_wait3A] : memref<2048x2048xi32, #tpu.memory_space<hbm>> -> memref<1x2048xi32, #tpu.memory_space<hbm>>
      %dma_wait3A_17 = tpu.memref_squeeze %dma_wait3A_16 : memref<1x2048xi32, #tpu.memory_space<hbm>> -> memref<2048xi32, #tpu.memory_space<hbm>>
      %dma_wait3A_18 = arith.constant 0 : i32
      %dma_wait3A_19 = tpu.memref_slice %arg3[%mul3A_2, %dma_wait3A_18] : memref<2048x2048xi32, #tpu.memory_space<hbm>> -> memref<1x2048xi32, #tpu.memory_space<hbm>>
      %dma_wait3A_20 = tpu.memref_squeeze %dma_wait3A_19 : memref<1x2048xi32, #tpu.memory_space<hbm>> -> memref<2048xi32, #tpu.memory_space<hbm>>
      tpu.wait_dma2 semaphore(%run_scoped3A : memref<!tpu.dma_semaphore, #tpu.memory_space<semaphore_mem>>) src(%dma_wait3A_20 : memref<2048xi32, #tpu.memory_space<hbm>>) dst(%arg5 : memref<2048xi32, #tpu.memory_space<vmem>>)
      tpu.yield
    }) : () -> ()
    %dma_start3A = arith.constant 0 : i32
    %dma_start3A_3 = arith.constant 0 : i32
    %dma_start3A_4 = tpu.memref_slice %arg2[%dma_start3A, %dma_start3A_3] : memref<4194304x8xf32, #tpu.memory_space<hbm>> -> memref<4194304x8xf32, #tpu.memory_space<hbm>>
    tpu.enqueue_indirect_dma source(%dma_start3A_4 : memref<4194304x8xf32, #tpu.memory_space<hbm>>) target(%arg7 : memref<2048x8xf32, #tpu.memory_space<vmem>>) offsets(%arg5 : memref<2048xi32, #tpu.memory_space<vmem>>) semaphore(%arg9 : memref<!tpu.dma_semaphore, #tpu.memory_space<semaphore_mem>>)
    %scan3A = arith.constant 0 : i32
    %scan3A_5 = arith.constant 0 : i32
    %scan3A_6 = arith.constant 64 : i32
    %scan3A_7 = arith.addi %scan3A_5, %scan3A_6 : i32
    %scan3A_8 = arith.constant 1 : i32
    scf.for %scan3A_10 = %scan3A_5 to %scan3A_7 step %scan3A_8  : i32 {
      %rem3A = arith.constant 2 : i32
      %rem3A_11 = arith.remsi %scan3A_10, %rem3A : i32
      %eq3A = arith.constant 0 : i32
      %eq3A_12 = arith.cmpi eq, %rem3A_11, %eq3A : i32
      %add3A_13 = arith.addi %mul3A_2, %scan3A_10 : i32
      %add3A_14 = arith.constant 1 : i32
      %add3A_15 = arith.addi %scan3A_10, %add3A_14 : i32
      %lt3A = arith.constant 64 : i32
      %lt3A_16 = arith.cmpi slt, %add3A_15, %lt3A : i32
      %convert_element_type3A = arith.extui %lt3A_16 : i1 to i32
      %cond3A = arith.constant 0 : i32
      %cond3A_17 = arith.cmpi ne, %convert_element_type3A, %cond3A : i32
      scf.if %cond3A_17 {
        %convert_element_type3A_25 = arith.extui %eq3A_12 : i1 to i32
        %cond3A_26 = arith.constant 0 : i32
        %cond3A_27 = arith.cmpi ne, %convert_element_type3A_25, %cond3A_26 : i32
        scf.if %cond3A_27 {
          %add3A_33 = arith.constant 1 : i32
          %add3A_34 = arith.addi %add3A_13, %add3A_33 : i32
          "tpu.region"() ({
            %run_scoped3A = tpu.sem_alloc : memref<!tpu.dma_semaphore, #tpu.memory_space<semaphore_mem>>
            %dma_start3A_38 = arith.constant 0 : i32
            %dma_start3A_39 = tpu.memref_slice %arg3[%add3A_34, %dma_start3A_38] : memref<2048x2048xi32, #tpu.memory_space<hbm>> -> memref<1x2048xi32, #tpu.memory_space<hbm>>
            %dma_start3A_40 = tpu.memref_squeeze %dma_start3A_39 : memref<1x2048xi32, #tpu.memory_space<hbm>> -> memref<2048xi32, #tpu.memory_space<hbm>>
            %dma_start3A_41 = arith.constant 0 : i32
            %dma_start3A_42 = tpu.memref_slice %arg3[%add3A_34, %dma_start3A_41] : memref<2048x2048xi32, #tpu.memory_space<hbm>> -> memref<1x2048xi32, #tpu.memory_space<hbm>>
            %dma_start3A_43 = tpu.memref_squeeze %dma_start3A_42 : memref<1x2048xi32, #tpu.memory_space<hbm>> -> memref<2048xi32, #tpu.memory_space<hbm>>
            tpu.enqueue_dma source(%dma_start3A_43 : memref<2048xi32, #tpu.memory_space<hbm>>) target(%arg6 : memref<2048xi32, #tpu.memory_space<vmem>>) target_semaphore(%run_scoped3A : memref<!tpu.dma_semaphore, #tpu.memory_space<semaphore_mem>>)
            %dma_wait3A = arith.constant 0 : i32
            %dma_wait3A_44 = tpu.memref_slice %arg3[%add3A_34, %dma_wait3A] : memref<2048x2048xi32, #tpu.memory_space<hbm>> -> memref<1x2048xi32, #tpu.memory_space<hbm>>
            %dma_wait3A_45 = tpu.memref_squeeze %dma_wait3A_44 : memref<1x2048xi32, #tpu.memory_space<hbm>> -> memref<2048xi32, #tpu.memory_space<hbm>>
            %dma_wait3A_46 = arith.constant 0 : i32
            %dma_wait3A_47 = tpu.memref_slice %arg3[%add3A_34, %dma_wait3A_46] : memref<2048x2048xi32, #tpu.memory_space<hbm>> -> memref<1x2048xi32, #tpu.memory_space<hbm>>
            %dma_wait3A_48 = tpu.memref_squeeze %dma_wait3A_47 : memref<1x2048xi32, #tpu.memory_space<hbm>> -> memref<2048xi32, #tpu.memory_space<hbm>>
            tpu.wait_dma2 semaphore(%run_scoped3A : memref<!tpu.dma_semaphore, #tpu.memory_space<semaphore_mem>>) src(%dma_wait3A_48 : memref<2048xi32, #tpu.memory_space<hbm>>) dst(%arg6 : memref<2048xi32, #tpu.memory_space<vmem>>)
            tpu.yield
          }) : () -> ()
          %dma_start3A_35 = arith.constant 0 : i32
          %dma_start3A_36 = arith.constant 0 : i32
          %dma_start3A_37 = tpu.memref_slice %arg2[%dma_start3A_35, %dma_start3A_36] : memref<4194304x8xf32, #tpu.memory_space<hbm>> -> memref<4194304x8xf32, #tpu.memory_space<hbm>>
          tpu.enqueue_indirect_dma source(%dma_start3A_37 : memref<4194304x8xf32, #tpu.memory_space<hbm>>) target(%arg8 : memref<2048x8xf32, #tpu.memory_space<vmem>>) offsets(%arg6 : memref<2048xi32, #tpu.memory_space<vmem>>) semaphore(%arg10 : memref<!tpu.dma_semaphore, #tpu.memory_space<semaphore_mem>>)
        } else {
        }
        %not3A_28 = arith.constant true
        %not3A_29 = arith.xori %eq3A_12, %not3A_28 : i1
        %convert_element_type3A_30 = arith.extui %not3A_29 : i1 to i32
        %cond3A_31 = arith.constant 0 : i32
        %cond3A_32 = arith.cmpi ne, %convert_element_type3A_30, %cond3A_31 : i32
        scf.if %cond3A_32 {
          %add3A_33 = arith.constant 1 : i32
          %add3A_34 = arith.addi %add3A_13, %add3A_33 : i32
          "tpu.region"() ({
            %run_scoped3A = tpu.sem_alloc : memref<!tpu.dma_semaphore, #tpu.memory_space<semaphore_mem>>
            %dma_start3A_38 = arith.constant 0 : i32
            %dma_start3A_39 = tpu.memref_slice %arg3[%add3A_34, %dma_start3A_38] : memref<2048x2048xi32, #tpu.memory_space<hbm>> -> memref<1x2048xi32, #tpu.memory_space<hbm>>
            %dma_start3A_40 = tpu.memref_squeeze %dma_start3A_39 : memref<1x2048xi32, #tpu.memory_space<hbm>> -> memref<2048xi32, #tpu.memory_space<hbm>>
            %dma_start3A_41 = arith.constant 0 : i32
            %dma_start3A_42 = tpu.memref_slice %arg3[%add3A_34, %dma_start3A_41] : memref<2048x2048xi32, #tpu.memory_space<hbm>> -> memref<1x2048xi32, #tpu.memory_space<hbm>>
            %dma_start3A_43 = tpu.memref_squeeze %dma_start3A_42 : memref<1x2048xi32, #tpu.memory_space<hbm>> -> memref<2048xi32, #tpu.memory_space<hbm>>
            tpu.enqueue_dma source(%dma_start3A_43 : memref<2048xi32, #tpu.memory_space<hbm>>) target(%arg5 : memref<2048xi32, #tpu.memory_space<vmem>>) target_semaphore(%run_scoped3A : memref<!tpu.dma_semaphore, #tpu.memory_space<semaphore_mem>>)
            %dma_wait3A = arith.constant 0 : i32
            %dma_wait3A_44 = tpu.memref_slice %arg3[%add3A_34, %dma_wait3A] : memref<2048x2048xi32, #tpu.memory_space<hbm>> -> memref<1x2048xi32, #tpu.memory_space<hbm>>
            %dma_wait3A_45 = tpu.memref_squeeze %dma_wait3A_44 : memref<1x2048xi32, #tpu.memory_space<hbm>> -> memref<2048xi32, #tpu.memory_space<hbm>>
            %dma_wait3A_46 = arith.constant 0 : i32
            %dma_wait3A_47 = tpu.memref_slice %arg3[%add3A_34, %dma_wait3A_46] : memref<2048x2048xi32, #tpu.memory_space<hbm>> -> memref<1x2048xi32, #tpu.memory_space<hbm>>
            %dma_wait3A_48 = tpu.memref_squeeze %dma_wait3A_47 : memref<1x2048xi32, #tpu.memory_space<hbm>> -> memref<2048xi32, #tpu.memory_space<hbm>>
            tpu.wait_dma2 semaphore(%run_scoped3A : memref<!tpu.dma_semaphore, #tpu.memory_space<semaphore_mem>>) src(%dma_wait3A_48 : memref<2048xi32, #tpu.memory_space<hbm>>) dst(%arg5 : memref<2048xi32, #tpu.memory_space<vmem>>)
            tpu.yield
          }) : () -> ()
          %dma_start3A_35 = arith.constant 0 : i32
          %dma_start3A_36 = arith.constant 0 : i32
          %dma_start3A_37 = tpu.memref_slice %arg2[%dma_start3A_35, %dma_start3A_36] : memref<4194304x8xf32, #tpu.memory_space<hbm>> -> memref<4194304x8xf32, #tpu.memory_space<hbm>>
          tpu.enqueue_indirect_dma source(%dma_start3A_37 : memref<4194304x8xf32, #tpu.memory_space<hbm>>) target(%arg7 : memref<2048x8xf32, #tpu.memory_space<vmem>>) offsets(%arg5 : memref<2048xi32, #tpu.memory_space<vmem>>) semaphore(%arg9 : memref<!tpu.dma_semaphore, #tpu.memory_space<semaphore_mem>>)
        } else {
        }
      } else {
      }
      %convert_element_type3A_18 = arith.extui %eq3A_12 : i1 to i32
      %cond3A_19 = arith.constant 0 : i32
      %cond3A_20 = arith.cmpi ne, %convert_element_type3A_18, %cond3A_19 : i32
      scf.if %cond3A_20 {
        %dma_wait3A = arith.constant 0 : i32
        %dma_wait3A_25 = arith.constant 0 : i32
        %dma_wait3A_26 = tpu.memref_slice %arg2[%dma_wait3A, %dma_wait3A_25] : memref<4194304x8xf32, #tpu.memory_space<hbm>> -> memref<4194304x8xf32, #tpu.memory_space<hbm>>
        tpu.wait_indirect_dma semaphore(%arg9 : memref<!tpu.dma_semaphore, #tpu.memory_space<semaphore_mem>>) src(%dma_wait3A_26 : memref<4194304x8xf32, #tpu.memory_space<hbm>>) dst(%arg7 : memref<2048x8xf32, #tpu.memory_space<vmem>>)
        "tpu.region"() ({
          %run_scoped3A = tpu.sem_alloc : memref<!tpu.dma_semaphore, #tpu.memory_space<semaphore_mem>>
          %dma_start3A_27 = arith.constant 0 : i32
          %dma_start3A_28 = arith.constant 0 : i32
          %dma_start3A_29 = tpu.memref_slice %arg4[%add3A_13, %dma_start3A_27, %dma_start3A_28] : memref<2048x2048x8xf32, #tpu.memory_space<hbm>> -> memref<1x2048x8xf32, #tpu.memory_space<hbm>>
          %dma_start3A_30 = tpu.memref_squeeze %dma_start3A_29 : memref<1x2048x8xf32, #tpu.memory_space<hbm>> -> memref<2048x8xf32, #tpu.memory_space<hbm>>
          %dma_start3A_31 = arith.constant 0 : i32
          %dma_start3A_32 = arith.constant 0 : i32
          %dma_start3A_33 = tpu.memref_slice %arg4[%add3A_13, %dma_start3A_31, %dma_start3A_32] : memref<2048x2048x8xf32, #tpu.memory_space<hbm>> -> memref<1x2048x8xf32, #tpu.memory_space<hbm>>
          %dma_start3A_34 = tpu.memref_squeeze %dma_start3A_33 : memref<1x2048x8xf32, #tpu.memory_space<hbm>> -> memref<2048x8xf32, #tpu.memory_space<hbm>>
          tpu.enqueue_dma source(%arg7 : memref<2048x8xf32, #tpu.memory_space<vmem>>) target(%dma_start3A_34 : memref<2048x8xf32, #tpu.memory_space<hbm>>) target_semaphore(%run_scoped3A : memref<!tpu.dma_semaphore, #tpu.memory_space<semaphore_mem>>)
          %dma_wait3A_35 = arith.constant 0 : i32
          %dma_wait3A_36 = arith.constant 0 : i32
          %dma_wait3A_37 = tpu.memref_slice %arg4[%add3A_13, %dma_wait3A_35, %dma_wait3A_36] : memref<2048x2048x8xf32, #tpu.memory_space<hbm>> -> memref<1x2048x8xf32, #tpu.memory_space<hbm>>
          %dma_wait3A_38 = tpu.memref_squeeze %dma_wait3A_37 : memref<1x2048x8xf32, #tpu.memory_space<hbm>> -> memref<2048x8xf32, #tpu.memory_space<hbm>>
          %dma_wait3A_39 = arith.constant 0 : i32
          %dma_wait3A_40 = arith.constant 0 : i32
          %dma_wait3A_41 = tpu.memref_slice %arg4[%add3A_13, %dma_wait3A_39, %dma_wait3A_40] : memref<2048x2048x8xf32, #tpu.memory_space<hbm>> -> memref<1x2048x8xf32, #tpu.memory_space<hbm>>
          %dma_wait3A_42 = tpu.memref_squeeze %dma_wait3A_41 : memref<1x2048x8xf32, #tpu.memory_space<hbm>> -> memref<2048x8xf32, #tpu.memory_space<hbm>>
          tpu.wait_dma2 semaphore(%run_scoped3A : memref<!tpu.dma_semaphore, #tpu.memory_space<semaphore_mem>>) src(%arg7 : memref<2048x8xf32, #tpu.memory_space<vmem>>) dst(%dma_wait3A_42 : memref<2048x8xf32, #tpu.memory_space<hbm>>)
          tpu.yield
        }) : () -> ()
      } else {
      }
      %not3A = arith.constant true
      %not3A_21 = arith.xori %eq3A_12, %not3A : i1
      %convert_element_type3A_22 = arith.extui %not3A_21 : i1 to i32
      %cond3A_23 = arith.constant 0 : i32
      %cond3A_24 = arith.cmpi ne, %convert_element_type3A_22, %cond3A_23 : i32
      scf.if %cond3A_24 {
        %dma_wait3A = arith.constant 0 : i32
        %dma_wait3A_25 = arith.constant 0 : i32
        %dma_wait3A_26 = tpu.memref_slice %arg2[%dma_wait3A, %dma_wait3A_25] : memref<4194304x8xf32, #tpu.memory_space<hbm>> -> memref<4194304x8xf32, #tpu.memory_space<hbm>>
        tpu.wait_indirect_dma semaphore(%arg10 : memref<!tpu.dma_semaphore, #tpu.memory_space<semaphore_mem>>) src(%dma_wait3A_26 : memref<4194304x8xf32, #tpu.memory_space<hbm>>) dst(%arg8 : memref<2048x8xf32, #tpu.memory_space<vmem>>)
        "tpu.region"() ({
          %run_scoped3A = tpu.sem_alloc : memref<!tpu.dma_semaphore, #tpu.memory_space<semaphore_mem>>
          %dma_start3A_27 = arith.constant 0 : i32
          %dma_start3A_28 = arith.constant 0 : i32
          %dma_start3A_29 = tpu.memref_slice %arg4[%add3A_13, %dma_start3A_27, %dma_start3A_28] : memref<2048x2048x8xf32, #tpu.memory_space<hbm>> -> memref<1x2048x8xf32, #tpu.memory_space<hbm>>
          %dma_start3A_30 = tpu.memref_squeeze %dma_start3A_29 : memref<1x2048x8xf32, #tpu.memory_space<hbm>> -> memref<2048x8xf32, #tpu.memory_space<hbm>>
          %dma_start3A_31 = arith.constant 0 : i32
          %dma_start3A_32 = arith.constant 0 : i32
          %dma_start3A_33 = tpu.memref_slice %arg4[%add3A_13, %dma_start3A_31, %dma_start3A_32] : memref<2048x2048x8xf32, #tpu.memory_space<hbm>> -> memref<1x2048x8xf32, #tpu.memory_space<hbm>>
          %dma_start3A_34 = tpu.memref_squeeze %dma_start3A_33 : memref<1x2048x8xf32, #tpu.memory_space<hbm>> -> memref<2048x8xf32, #tpu.memory_space<hbm>>
          tpu.enqueue_dma source(%arg8 : memref<2048x8xf32, #tpu.memory_space<vmem>>) target(%dma_start3A_34 : memref<2048x8xf32, #tpu.memory_space<hbm>>) target_semaphore(%run_scoped3A : memref<!tpu.dma_semaphore, #tpu.memory_space<semaphore_mem>>)
          %dma_wait3A_35 = arith.constant 0 : i32
          %dma_wait3A_36 = arith.constant 0 : i32
          %dma_wait3A_37 = tpu.memref_slice %arg4[%add3A_13, %dma_wait3A_35, %dma_wait3A_36] : memref<2048x2048x8xf32, #tpu.memory_space<hbm>> -> memref<1x2048x8xf32, #tpu.memory_space<hbm>>
          %dma_wait3A_38 = tpu.memref_squeeze %dma_wait3A_37 : memref<1x2048x8xf32, #tpu.memory_space<hbm>> -> memref<2048x8xf32, #tpu.memory_space<hbm>>
          %dma_wait3A_39 = arith.constant 0 : i32
          %dma_wait3A_40 = arith.constant 0 : i32
          %dma_wait3A_41 = tpu.memref_slice %arg4[%add3A_13, %dma_wait3A_39, %dma_wait3A_40] : memref<2048x2048x8xf32, #tpu.memory_space<hbm>> -> memref<1x2048x8xf32, #tpu.memory_space<hbm>>
          %dma_wait3A_42 = tpu.memref_squeeze %dma_wait3A_41 : memref<1x2048x8xf32, #tpu.memory_space<hbm>> -> memref<2048x8xf32, #tpu.memory_space<hbm>>
          tpu.wait_dma2 semaphore(%run_scoped3A : memref<!tpu.dma_semaphore, #tpu.memory_space<semaphore_mem>>) src(%arg8 : memref<2048x8xf32, #tpu.memory_space<vmem>>) dst(%dma_wait3A_42 : memref<2048x8xf32, #tpu.memory_space<hbm>>)
          tpu.yield
        }) : () -> ()
      } else {
      }
    }
    %scan3A_9 = arith.constant 64 : i32
    return
  }
}

module attributes {stable_mosaic.version = 14 : i64} {
  func.func @_edge_mlp_body(%arg0: i32, %arg1: memref<4096x8xf32, #tpu.memory_space<vmem>>, %arg2: memref<8x128xf32, #tpu.memory_space<vmem>>, %arg3: memref<1x128xf32, #tpu.memory_space<vmem>>, %arg4: memref<128x8xf32, #tpu.memory_space<vmem>>, %arg5: memref<1x8xf32, #tpu.memory_space<vmem>>, %arg6: memref<4096x8xf32, #tpu.memory_space<vmem>>) attributes {dimension_semantics = [#tpu.dimension_semantics<arbitrary>], iteration_bounds = array<i64: 1024>, scalar_prefetch = 0 : i64, scratch_operands = 0 : i64, tpu.core_type = #tpu.core_type<tc>, window_params = [{transform_indices = @transform_0, window_bounds = array<i64: 4096, 8>}, {pipeline_mode = #tpu.pipeline_mode<synchronous>, transform_indices = @transform_1, window_bounds = array<i64: 8, 128>}, {pipeline_mode = #tpu.pipeline_mode<synchronous>, transform_indices = @transform_2, window_bounds = array<i64: 1, 128>}, {pipeline_mode = #tpu.pipeline_mode<synchronous>, transform_indices = @transform_3, window_bounds = array<i64: 128, 8>}, {pipeline_mode = #tpu.pipeline_mode<synchronous>, transform_indices = @transform_4, window_bounds = array<i64: 1, 8>}, {transform_indices = @transform_5, window_bounds = array<i64: 4096, 8>}]} {
    %get3A = arith.constant 0 : index
    %get3A_0 = arith.constant 0 : index
    %get3A_1 = vector.load %arg1[%get3A, %get3A_0] : memref<4096x8xf32, #tpu.memory_space<vmem>>, vector<4096x8xf32>
    %get3A_2 = arith.constant 0 : index
    %get3A_3 = arith.constant 0 : index
    %get3A_4 = vector.load %arg2[%get3A_2, %get3A_3] : memref<8x128xf32, #tpu.memory_space<vmem>>, vector<8x128xf32>
    %dot_general3A = arith.constant dense<0.000000e+00> : vector<4096x128xf32>
    %dot_general3A_5 = tpu.matmul %get3A_1, %get3A_4, %dot_general3A {dimension_numbers = #tpu.dot_dimension_numbers<[1], [0], [0], [1], [0, 0, 1, 1], [], []>, transpose_lhs_hint = false} : vector<4096x8xf32>, vector<8x128xf32>, vector<4096x128xf32> -> vector<4096x128xf32>
    %get3A_6 = arith.constant 0 : index
    %get3A_7 = arith.constant 0 : index
    %get3A_8 = vector.load %arg3[%get3A_6, %get3A_7] : memref<1x128xf32, #tpu.memory_space<vmem>>, vector<1x128xf32>
    %add3A = vector.broadcast %get3A_8 : vector<1x128xf32> to vector<4096x128xf32>
    %add3A_9 = arith.addf %dot_general3A_5, %add3A : vector<4096x128xf32>
    %max3A = arith.constant 0.000000e+00 : f32
    %max3A_10 = vector.broadcast %max3A : f32 to vector<4096x128xf32>
    %max3A_11 = arith.maximumf %add3A_9, %max3A_10 : vector<4096x128xf32>
    %get3A_12 = arith.constant 0 : index
    %get3A_13 = arith.constant 0 : index
    %get3A_14 = vector.load %arg4[%get3A_12, %get3A_13] : memref<128x8xf32, #tpu.memory_space<vmem>>, vector<128x8xf32>
    %dot_general3A_15 = arith.constant dense<0.000000e+00> : vector<4096x8xf32>
    %dot_general3A_16 = tpu.matmul %max3A_11, %get3A_14, %dot_general3A_15 {dimension_numbers = #tpu.dot_dimension_numbers<[1], [0], [0], [1], [0, 0, 1, 1], [], []>, transpose_lhs_hint = false} : vector<4096x128xf32>, vector<128x8xf32>, vector<4096x8xf32> -> vector<4096x8xf32>
    %get3A_17 = arith.constant 0 : index
    %get3A_18 = arith.constant 0 : index
    %get3A_19 = vector.load %arg5[%get3A_17, %get3A_18] : memref<1x8xf32, #tpu.memory_space<vmem>>, vector<1x8xf32>
    %add3A_20 = vector.broadcast %get3A_19 : vector<1x8xf32> to vector<4096x8xf32>
    %add3A_21 = arith.addf %dot_general3A_16, %add3A_20 : vector<4096x8xf32>
    %reduce_max3A = arith.constant dense<0xFF800000> : vector<4096xf32>
    %reduce_max3A_22 = vector.multi_reduction <maximumf>, %add3A_21, %reduce_max3A [1] : vector<4096x8xf32> to vector<4096xf32>
    %broadcast_in_dim3A = vector.shape_cast %reduce_max3A_22 : vector<4096xf32> to vector<4096x1xf32>
    %sub3A = vector.broadcast %broadcast_in_dim3A : vector<4096x1xf32> to vector<4096x8xf32>
    %sub3A_23 = arith.subf %add3A_21, %sub3A : vector<4096x8xf32>
    %exp3A = math.exp %sub3A_23 : vector<4096x8xf32>
    %reduce_sum3A = arith.constant dense<0.000000e+00> : vector<4096xf32>
    %reduce_sum3A_24 = vector.multi_reduction <add>, %exp3A, %reduce_sum3A [1] : vector<4096x8xf32> to vector<4096xf32>
    %broadcast_in_dim3A_25 = vector.shape_cast %reduce_sum3A_24 : vector<4096xf32> to vector<4096x1xf32>
    %div3A = vector.broadcast %broadcast_in_dim3A_25 : vector<4096x1xf32> to vector<4096x8xf32>
    %div3A_26 = arith.divf %exp3A, %div3A : vector<4096x8xf32>
    %swap3A = arith.constant 0 : index
    %swap3A_27 = arith.constant 0 : index
    %swap3A_28 = vector.load %arg6[%swap3A, %swap3A_27] : memref<4096x8xf32, #tpu.memory_space<vmem>>, vector<4096x8xf32>
    tpu.vector_store %arg6[%swap3A, %swap3A_27], %div3A_26 {strides = array<i32>} : memref<4096x8xf32, #tpu.memory_space<vmem>>, vector<4096x8xf32>,
    return
  }
  func.func @transform_0(%arg0: i32) -> (i32, i32) {
    %c0_i32 = arith.constant 0 : i32
    %c0_i32_0 = arith.constant 0 : i32
    return %arg0, %c0_i32 : i32, i32
  }
  func.func @transform_1(%arg0: i32) -> (i32, i32) {
    %c0_i32 = arith.constant 0 : i32
    %c0_i32_0 = arith.constant 0 : i32
    %c0_i32_1 = arith.constant 0 : i32
    return %c0_i32, %c0_i32_0 : i32, i32
  }
  func.func @transform_2(%arg0: i32) -> (i32, i32) {
    %c0_i32 = arith.constant 0 : i32
    %c0_i32_0 = arith.constant 0 : i32
    %c0_i32_1 = arith.constant 0 : i32
    return %c0_i32, %c0_i32_0 : i32, i32
  }
  func.func @transform_3(%arg0: i32) -> (i32, i32) {
    %c0_i32 = arith.constant 0 : i32
    %c0_i32_0 = arith.constant 0 : i32
    %c0_i32_1 = arith.constant 0 : i32
    return %c0_i32, %c0_i32_0 : i32, i32
  }
  func.func @transform_4(%arg0: i32) -> (i32, i32) {
    %c0_i32 = arith.constant 0 : i32
    %c0_i32_0 = arith.constant 0 : i32
    %c0_i32_1 = arith.constant 0 : i32
    return %c0_i32, %c0_i32_0 : i32, i32
  }
  func.func @transform_5(%arg0: i32) -> (i32, i32) {
    %c0_i32 = arith.constant 0 : i32
    %c0_i32_0 = arith.constant 0 : i32
    return %arg0, %c0_i32 : i32, i32
  }
}

module attributes {stable_mosaic.version = 14 : i64} {
  func.func @_order_body(%arg0: memref<2048x1xf32, #tpu.memory_space<vmem>>, %arg1: memref<2048x16xf32, #tpu.memory_space<vmem>>, %arg2: memref<16x128xf32, #tpu.memory_space<vmem>>, %arg3: memref<1x128xf32, #tpu.memory_space<vmem>>, %arg4: memref<128x16xf32, #tpu.memory_space<vmem>>, %arg5: memref<1x16xf32, #tpu.memory_space<vmem>>, %arg6: memref<2048x1xi32, #tpu.memory_space<vmem>>, %arg7: memref<2048x16xf32, #tpu.memory_space<vmem>>, %arg8: memref<2048x1xf32, #tpu.memory_space<vmem>>, %arg9: memref<1x2048xf32, #tpu.memory_space<vmem>>, %arg10: memref<2048x1xi32, #tpu.memory_space<vmem>>) attributes {dimension_semantics = [], scalar_prefetch = 0 : i64, scratch_operands = 3 : i64, tpu.core_type = #tpu.core_type<tc>} {
    %get3A = arith.constant 0 : index
    %get3A_0 = arith.constant 0 : index
    %get3A_1 = vector.load %arg0[%get3A, %get3A_0] : memref<2048x1xf32, #tpu.memory_space<vmem>>, vector<2048x1xf32>
    %swap3A = arith.constant 0 : index
    %swap3A_2 = arith.constant 0 : index
    %swap3A_3 = vector.load %arg8[%swap3A, %swap3A_2] : memref<2048x1xf32, #tpu.memory_space<vmem>>, vector<2048x1xf32>
    tpu.vector_store %arg8[%swap3A, %swap3A_2], %get3A_1 {strides = array<i32>} : memref<2048x1xf32, #tpu.memory_space<vmem>>, vector<2048x1xf32>,
    %transpose3A = tpu.transpose %get3A_1, [1, 0] : vector<2048x1xf32> -> vector<1x2048xf32>
    %swap3A_4 = arith.constant 0 : index
    %swap3A_5 = arith.constant 0 : index
    %swap3A_6 = vector.load %arg9[%swap3A_4, %swap3A_5] : memref<1x2048xf32, #tpu.memory_space<vmem>>, vector<1x2048xf32>
    tpu.vector_store %arg9[%swap3A_4, %swap3A_5], %transpose3A {strides = array<i32>} : memref<1x2048xf32, #tpu.memory_space<vmem>>, vector<1x2048xf32>,
    %get3A_7 = arith.constant 0 : index
    %get3A_8 = arith.constant 0 : index
    %get3A_9 = vector.load %arg1[%get3A_7, %get3A_8] : memref<2048x16xf32, #tpu.memory_space<vmem>>, vector<2048x16xf32>
    %get3A_10 = arith.constant 0 : index
    %get3A_11 = arith.constant 0 : index
    %get3A_12 = vector.load %arg2[%get3A_10, %get3A_11] : memref<16x128xf32, #tpu.memory_space<vmem>>, vector<16x128xf32>
    %dot_general3A = arith.constant dense<0.000000e+00> : vector<2048x128xf32>
    %dot_general3A_13 = tpu.matmul %get3A_9, %get3A_12, %dot_general3A {dimension_numbers = #tpu.dot_dimension_numbers<[1], [0], [0], [1], [0, 0, 1, 1], [], []>, transpose_lhs_hint = false} : vector<2048x16xf32>, vector<16x128xf32>, vector<2048x128xf32> -> vector<2048x128xf32>
    %get3A_14 = arith.constant 0 : index
    %get3A_15 = arith.constant 0 : index
    %get3A_16 = vector.load %arg3[%get3A_14, %get3A_15] : memref<1x128xf32, #tpu.memory_space<vmem>>, vector<1x128xf32>
    %add3A = vector.broadcast %get3A_16 : vector<1x128xf32> to vector<2048x128xf32>
    %add3A_17 = arith.addf %dot_general3A_13, %add3A : vector<2048x128xf32>
    %max3A = arith.constant 0.000000e+00 : f32
    %max3A_18 = vector.broadcast %max3A : f32 to vector<2048x128xf32>
    %max3A_19 = arith.maximumf %add3A_17, %max3A_18 : vector<2048x128xf32>
    %get3A_20 = arith.constant 0 : index
    %get3A_21 = arith.constant 0 : index
    %get3A_22 = vector.load %arg4[%get3A_20, %get3A_21] : memref<128x16xf32, #tpu.memory_space<vmem>>, vector<128x16xf32>
    %dot_general3A_23 = arith.constant dense<0.000000e+00> : vector<2048x16xf32>
    %dot_general3A_24 = tpu.matmul %max3A_19, %get3A_22, %dot_general3A_23 {dimension_numbers = #tpu.dot_dimension_numbers<[1], [0], [0], [1], [0, 0, 1, 1], [], []>, transpose_lhs_hint = false} : vector<2048x128xf32>, vector<128x16xf32>, vector<2048x16xf32> -> vector<2048x16xf32>
    %get3A_25 = arith.constant 0 : index
    %get3A_26 = arith.constant 0 : index
    %get3A_27 = vector.load %arg5[%get3A_25, %get3A_26] : memref<1x16xf32, #tpu.memory_space<vmem>>, vector<1x16xf32>
    %add3A_28 = vector.broadcast %get3A_27 : vector<1x16xf32> to vector<2048x16xf32>
    %add3A_29 = arith.addf %dot_general3A_24, %add3A_28 : vector<2048x16xf32>
    %reduce_max3A = arith.constant dense<0xFF800000> : vector<2048xf32>
    %reduce_max3A_30 = vector.multi_reduction <maximumf>, %add3A_29, %reduce_max3A [1] : vector<2048x16xf32> to vector<2048xf32>
    %broadcast_in_dim3A = vector.shape_cast %reduce_max3A_30 : vector<2048xf32> to vector<2048x1xf32>
    %sub3A = vector.broadcast %broadcast_in_dim3A : vector<2048x1xf32> to vector<2048x16xf32>
    %sub3A_31 = arith.subf %add3A_29, %sub3A : vector<2048x16xf32>
    %exp3A = math.exp %sub3A_31 : vector<2048x16xf32>
    %reduce_sum3A = arith.constant dense<0.000000e+00> : vector<2048xf32>
    %reduce_sum3A_32 = vector.multi_reduction <add>, %exp3A, %reduce_sum3A [1] : vector<2048x16xf32> to vector<2048xf32>
    %broadcast_in_dim3A_33 = vector.shape_cast %reduce_sum3A_32 : vector<2048xf32> to vector<2048x1xf32>
    %div3A = vector.broadcast %broadcast_in_dim3A_33 : vector<2048x1xf32> to vector<2048x16xf32>
    %div3A_34 = arith.divf %exp3A, %div3A : vector<2048x16xf32>
    %iota3A = tpu.iota {dimensions = array<i32: 1>} : vector<1x2048xi32>
    %iota3A_35 = tpu.iota {dimensions = array<i32: 0>} : vector<128x1xi32>
    %scan3A = arith.constant 0 : i32
    %scan3A_36 = arith.constant 16 : i32
    %scan3A_37 = arith.addi %scan3A, %scan3A_36 : i32
    %scan3A_38 = arith.constant 1 : i32
    scf.for %scan3A_49 = %scan3A to %scan3A_37 step %scan3A_38  : i32 {
      %mul3A = arith.constant 128 : i32
      %mul3A_50 = arith.muli %scan3A_49, %mul3A : i32
      %get3A_51 = arith.index_cast %mul3A_50 : i32 to index
      %get3A_52 = arith.constant 0 : index
      %get3A_53 = vector.load %arg8[%get3A_51, %get3A_52] : memref<2048x1xf32, #tpu.memory_space<vmem>>, vector<128x1xf32>
      %get3A_54 = arith.constant 0 : index
      %get3A_55 = arith.constant 0 : index
      %get3A_56 = vector.load %arg9[%get3A_54, %get3A_55] : memref<1x2048xf32, #tpu.memory_space<vmem>>, vector<1x2048xf32>
      %mul3A_57 = arith.constant 128 : i32
      %mul3A_58 = arith.muli %scan3A_49, %mul3A_57 : i32
      %add3A_59 = vector.broadcast %mul3A_58 : i32 to vector<128x1xi32>
      %add3A_60 = arith.addi %iota3A_35, %add3A_59 : vector<128x1xi32>
      %lt3A = vector.broadcast %get3A_56 : vector<1x2048xf32> to vector<128x2048xf32>
      %lt3A_61 = vector.broadcast %get3A_53 : vector<128x1xf32> to vector<128x2048xf32>
      %lt3A_62 = arith.cmpf olt, %lt3A, %lt3A_61 : vector<128x2048xf32>
      %eq3A = vector.broadcast %get3A_56 : vector<1x2048xf32> to vector<128x2048xf32>
      %eq3A_63 = vector.broadcast %get3A_53 : vector<128x1xf32> to vector<128x2048xf32>
      %eq3A_64 = arith.cmpf oeq, %eq3A, %eq3A_63 : vector<128x2048xf32>
      %lt3A_65 = vector.broadcast %iota3A : vector<1x2048xi32> to vector<128x2048xi32>
      %lt3A_66 = vector.broadcast %add3A_60 : vector<128x1xi32> to vector<128x2048xi32>
      %lt3A_67 = arith.cmpi slt, %lt3A_65, %lt3A_66 : vector<128x2048xi32>
      %and3A = arith.andi %eq3A_64, %lt3A_67 : vector<128x2048xi1>
      %or3A = arith.ori %lt3A_62, %and3A : vector<128x2048xi1>
      %convert_element_type3A = arith.extui %or3A : vector<128x2048xi1> to vector<128x2048xi32>
      %reduce_sum3A_68 = arith.constant dense<0> : vector<128xi32>
      %reduce_sum3A_69 = vector.multi_reduction <add>, %convert_element_type3A, %reduce_sum3A_68 [1] : vector<128x2048xi32> to vector<128xi32>
      %broadcast_in_dim3A_70 = vector.shape_cast %reduce_sum3A_69 : vector<128xi32> to vector<128x1xi32>
      %mul3A_71 = arith.constant 128 : i32
      %mul3A_72 = arith.muli %scan3A_49, %mul3A_71 : i32
      %swap3A_73 = arith.index_cast %mul3A_72 : i32 to index
      %swap3A_74 = arith.constant 0 : index
      %swap3A_75 = vector.load %arg10[%swap3A_73, %swap3A_74] : memref<2048x1xi32, #tpu.memory_space<vmem>>, vector<128x1xi32>
      tpu.vector_store %arg10[%swap3A_73, %swap3A_74], %broadcast_in_dim3A_70 {strides = array<i32>} : memref<2048x1xi32, #tpu.memory_space<vmem>>, vector<128x1xi32>,
    }
    %scan3A_39 = arith.constant 16 : i32
    %get3A_40 = arith.constant 0 : index
    %get3A_41 = arith.constant 0 : index
    %get3A_42 = vector.load %arg10[%get3A_40, %get3A_41] : memref<2048x1xi32, #tpu.memory_space<vmem>>, vector<2048x1xi32>
    %transpose3A_43 = tpu.transpose %get3A_42, [1, 0] : vector<2048x1xi32> -> vector<1x2048xi32>
    %scan3A_44 = arith.constant 0 : i32
    %scan3A_45 = arith.constant 16 : i32
    %scan3A_46 = arith.addi %scan3A_44, %scan3A_45 : i32
    %scan3A_47 = arith.constant 1 : i32
    scf.for %scan3A_49 = %scan3A_44 to %scan3A_46 step %scan3A_47  : i32 {
      %mul3A = arith.constant 128 : i32
      %mul3A_50 = arith.muli %scan3A_49, %mul3A : i32
      %add3A_51 = vector.broadcast %mul3A_50 : i32 to vector<128x1xi32>
      %add3A_52 = arith.addi %iota3A_35, %add3A_51 : vector<128x1xi32>
      %eq3A = vector.broadcast %transpose3A_43 : vector<1x2048xi32> to vector<128x2048xi32>
      %eq3A_53 = vector.broadcast %add3A_52 : vector<128x1xi32> to vector<128x2048xi32>
      %eq3A_54 = arith.cmpi eq, %eq3A, %eq3A_53 : vector<128x2048xi32>
      %jit3A = arith.constant 0 : i32
      %broadcast_in_dim3A_55 = vector.shape_cast %iota3A : vector<1x2048xi32> to vector<1x2048xi32>
      %broadcast_in_dim3A_56 = vector.broadcast %broadcast_in_dim3A_55 : vector<1x2048xi32> to vector<128x2048xi32>
      %broadcast_in_dim3A_57 = vector.broadcast %jit3A : i32 to vector<128x2048xi32>
      %select_n3A = arith.select %eq3A_54, %broadcast_in_dim3A_56, %broadcast_in_dim3A_57 : vector<128x2048xi1>, vector<128x2048xi32>
      %reduce_sum3A_58 = arith.constant dense<0> : vector<128xi32>
      %reduce_sum3A_59 = vector.multi_reduction <add>, %select_n3A, %reduce_sum3A_58 [1] : vector<128x2048xi32> to vector<128xi32>
      %broadcast_in_dim3A_60 = vector.shape_cast %reduce_sum3A_59 : vector<128xi32> to vector<128x1xi32>
      %mul3A_61 = arith.constant 128 : i32
      %mul3A_62 = arith.muli %scan3A_49, %mul3A_61 : i32
      %swap3A_63 = arith.index_cast %mul3A_62 : i32 to index
      %swap3A_64 = arith.constant 0 : index
      %swap3A_65 = vector.load %arg6[%swap3A_63, %swap3A_64] : memref<2048x1xi32, #tpu.memory_space<vmem>>, vector<128x1xi32>
      tpu.vector_store %arg6[%swap3A_63, %swap3A_64], %broadcast_in_dim3A_60 {strides = array<i32>} : memref<2048x1xi32, #tpu.memory_space<vmem>>, vector<128x1xi32>,
      %convert_element_type3A = arith.extui %eq3A_54 : vector<128x2048xi1> to vector<128x2048xi32>
      %convert_element_type3A_66 = arith.sitofp %convert_element_type3A : vector<128x2048xi32> to vector<128x2048xf32>
      %dot_general3A_67 = arith.constant dense<0.000000e+00> : vector<128x16xf32>
      %dot_general3A_68 = tpu.matmul %convert_element_type3A_66, %div3A_34, %dot_general3A_67 {dimension_numbers = #tpu.dot_dimension_numbers<[1], [0], [0], [1], [0, 0, 1, 1], [], []>, precision = #tpu.contract_precision<fp32>, transpose_lhs_hint = false} : vector<128x2048xf32>, vector<2048x16xf32>, vector<128x16xf32> -> vector<128x16xf32>
      %mul3A_69 = arith.constant 128 : i32
      %mul3A_70 = arith.muli %scan3A_49, %mul3A_69 : i32
      %swap3A_71 = arith.index_cast %mul3A_70 : i32 to index
      %swap3A_72 = arith.constant 0 : index
      %swap3A_73 = vector.load %arg7[%swap3A_71, %swap3A_72] : memref<2048x16xf32, #tpu.memory_space<vmem>>, vector<128x16xf32>
      tpu.vector_store %arg7[%swap3A_71, %swap3A_72], %dot_general3A_68 {strides = array<i32>} : memref<2048x16xf32, #tpu.memory_space<vmem>>, vector<128x16xf32>,
    }
    %scan3A_48 = arith.constant 16 : i32
    return
  }
}

module attributes {stable_mosaic.version = 14 : i64} {
  func.func @_idx_body(%arg0: i32, %arg1: memref<2048x1xi32, #tpu.memory_space<vmem>>, %arg2: memref<128x2048xi32, #tpu.memory_space<vmem>>) attributes {dimension_semantics = [#tpu.dimension_semantics<arbitrary>], iteration_bounds = array<i64: 16>, scalar_prefetch = 0 : i64, scratch_operands = 0 : i64, tpu.core_type = #tpu.core_type<tc>, window_params = [{pipeline_mode = #tpu.pipeline_mode<synchronous>, transform_indices = @transform_0, window_bounds = array<i64: 2048, 1>}, {transform_indices = @transform_1, window_bounds = array<i64: 128, 2048>}]} {
    %mul3A = arith.constant 128 : i32
    %mul3A_0 = arith.muli %arg0, %mul3A : i32
    %get3A = arith.index_cast %mul3A_0 : i32 to index
    %get3A_1 = arith.constant 0 : index
    %get3A_2 = vector.load %arg1[%get3A, %get3A_1] : memref<2048x1xi32, #tpu.memory_space<vmem>>, vector<128x1xi32>
    %mul3A_3 = arith.constant 2048 : i32
    %mul3A_4 = vector.broadcast %mul3A_3 : i32 to vector<128x1xi32>
    %mul3A_5 = arith.muli %get3A_2, %mul3A_4 : vector<128x1xi32>
    %get3A_6 = arith.constant 0 : index
    %get3A_7 = arith.constant 0 : index
    %get3A_8 = vector.load %arg1[%get3A_6, %get3A_7] : memref<2048x1xi32, #tpu.memory_space<vmem>>, vector<2048x1xi32>
    %transpose3A = tpu.transpose %get3A_8, [1, 0] : vector<2048x1xi32> -> vector<1x2048xi32>
    %add3A = vector.broadcast %mul3A_5 : vector<128x1xi32> to vector<128x2048xi32>
    %add3A_9 = vector.broadcast %transpose3A : vector<1x2048xi32> to vector<128x2048xi32>
    %add3A_10 = arith.addi %add3A, %add3A_9 : vector<128x2048xi32>
    %swap3A = arith.constant 0 : index
    %swap3A_11 = arith.constant 0 : index
    %swap3A_12 = vector.load %arg2[%swap3A, %swap3A_11] : memref<128x2048xi32, #tpu.memory_space<vmem>>, vector<128x2048xi32>
    tpu.vector_store %arg2[%swap3A, %swap3A_11], %add3A_10 {strides = array<i32>} : memref<128x2048xi32, #tpu.memory_space<vmem>>, vector<128x2048xi32>,
    return
  }
  func.func @transform_0(%arg0: i32) -> (i32, i32) {
    %c0_i32 = arith.constant 0 : i32
    %c0_i32_0 = arith.constant 0 : i32
    %c0_i32_1 = arith.constant 0 : i32
    return %c0_i32, %c0_i32_0 : i32, i32
  }
  func.func @transform_1(%arg0: i32) -> (i32, i32) {
    %c0_i32 = arith.constant 0 : i32
    %c0_i32_0 = arith.constant 0 : i32
    return %arg0, %c0_i32 : i32, i32
  }
}

</mosaic_0001>

<sc_bundles>
// kernel: kernel.6.cloned.1.call-start
scs
__scs_entry_jumppad:
0x0: {  	(pc) =	sbr.rel $0x88, $3  }
0x1: {  	(tag) =	ssettag $0x0;
	lr =	simm.s32 $0x1  }
0x2: {  	[smem:$0x3F97] =	sst lr;
	_ =	strace $0xD0000000  }
0x3: {  	_ = 	snop  }
0x4: {  	_ = 	snop  }
0x5: {  	_ = 	snop  }
0x6: {  	_ = 	snop  }
0x7: {  	_ = 	snop  }
__scs_overlays_trampoline_lowered:
0x8: {  	[smem:$0x3FA6] =	sst s0  }
0x9: {  	[smem:$0x3FA7] =	sst s1  }
0xa: {  	[smem:$0x3FA8] =	sst s2  }
0xb: {  	[smem:$0x3FA9] =	sst s3  }
0xc: {  	[smem:$0x3FAA] =	sst s4  }
0xd: {  	[smem:$0x3FAB] =	sst s5  }
0xe: {  	[smem:$0x3FAC] =	sst s6  }
0xf: {  	[smem:$0x3FAD] =	sst s7  }
0x10: {  	[smem:$0x3FAE] =	sst s8  }
0x11: {  	[smem:$0x3FAF] =	sst s9;
	s0 =	simm.s32 @!p0 $0x0  }
0x12: {  	s1 =	sld [smem:$0x3F95];
	s0 =	simm.s32 @p0 $0x1  }
0x13: {  	[smem:$0x3FB0] =	sst s0;
	s0 =	simm.s32 @!p1 $0x0  }
0x14: {  	s2 =	sld [smem:$0x3F94];
	s0 =	simm.s32 @p1 $0x1  }
0x15: {  	[smem:$0x3FB1] =	sst s0;
	s0 =	simm.s32 @!p2 $0x0  }
0x16: {  	s3 =	sld [smem:$0x3FDB];
	s0 =	simm.s32 @p2 $0x1  }
0x17: {  	s4 =	simm.s32 $0x1BF5;
	[smem:$0x3FB3] =	sst s0  }
0x18: {  	s0 =	sld [smem:$0x3F96];
	_ =	swait.ge [sflag:s4], $0x0  }
0x19: {  	s7 =	sld [smem:$0x3F97]  }
0x1a: {  	s8 =	sadd.s32 $0xFFFFE003, lr  }
0x1b: {  	s9 =	sadd.s32 $0xFFFFFEF7, lr;
	s5 =	simm.s32 $0xFFFFFFFF;
	p2 =	slt.u32 s8, $0xFFFFF086  }
0x1c: {  	p1 =	slt.u32 s9, $0xF7A;
	s5 =	simm.s32 @!p2 $0x0  }
0x1d: {  	s5 =	simm.s32 @p1 $0x1;
	p0 =	seq.s32 s7, s2  }
0x1e: {  	s7 =	smul.u32 @!p0 $0xF7A, s2;
	p2 =	seq.s32 @!p0 s5, $0x0  }
0x1f: {  	s9 =	smul.u32 $0xF7A, s1;
	s8 =	simm.s32 @!p0 $0x1BF5;
	p2 =	por !p2, p0  }
0x20: {  	[sflag:s8] =	ssyncset.s32 @!p0 $0xFFFFF086;
	s6 =	sadd.s32 @!p0 s3, s7;
	s7 =	simm.s32 @!p0 $0x108  }
0x21: {  	s3 =	sadd.s32 s3, s9;
	s6 =	sadd.s32 @!p0 $0x88, s6;
	s7 =	simm.s32 @p2 $0x1082  }
0x22: {  	[simem:s7], [sflag:s8] =	dma.local @!p0 [hbm:s6], $0xF7A  }
0x23: {  	s9 =	sor.u32 $0xD0000000, s2;
	s6 =	simm.s32 $0x108;
	_ =	swait.ge @!p0 [sflag:s8], $0x0  }
0x24: {  	s3 =	sadd.s32 $0x88, s3;
	s6 =	simm.s32 @!p1 $0x1082;
	[sflag:s4] =	ssyncset.s32 $0xFFFFF086  }
0x25: {  	[simem:s6], [sflag:s4] =	dma.local [hbm:s3], $0xF7A  }
0x26: {  	[smem:$0x3F97] =	sst s1;
	(tag) =	ssettag s2;
	_ =	strace s9  }
0x27: {  	s1 =	sld [smem:$0x3FA7]  }
0x28: {  	s2 =	sld [smem:$0x3FA8]  }
0x29: {  	s4 =	sld [smem:$0x3FAA]  }
0x2a: {  	p0 =	seq.s32 s5, $0x0;
	s5 =	sld [smem:$0x3FAB]  }
0x2b: {  	s6 =	sld [smem:$0x3FAC]  }
0x2c: {  	s7 =	sld [smem:$0x3FAD]  }
0x2d: {  	s3 =	simm.s32 $0x108;
	s8 =	sld [smem:$0x3FAE]  }
0x2e: {  	s3 =	simm.s32 @!p0 $0x1082;
	s9 =	sld [smem:$0x3FAF]  }
0x2f: {  	lr =	sadd.s32 s0, s3;
	s0 =	sld [smem:$0x3FA6]  }
0x30: {  	s3 =	sld [smem:$0x3FA9]  }
0x31: {  	[smem:$0x3FB2] =	sst s10  }
0x32: {  	s10 =	sld [smem:$0x3FB0];
	_ =	sdelay $0x3  }
0x33: {  	p0 =	seq.s32 s10, $0x1;
	s10 =	sld [smem:$0x3FB2];
	_ =	sdelay $0x3  }
0x34: {  	[smem:$0x3FB2] =	sst s10  }
0x35: {  	s10 =	sld [smem:$0x3FB1];
	_ =	sdelay $0x3  }
0x36: {  	p1 =	seq.s32 s10, $0x1;
	s10 =	sld [smem:$0x3FB2];
	_ =	sdelay $0x3  }
0x37: {  	[smem:$0x3FB2] =	sst s10  }
0x38: {  	s10 =	sld [smem:$0x3FB3]  }
0x39: {  	_ = 	snop;
	(pc) =	sbr.ind lr, $3  }
0x3a: {  	_ = 	snop  }
0x3b: {  	_ = 	snop  }
0x3c: {  	p2 =	seq.s32 s10, $0x1;
	s10 =	sld [smem:$0x3FB2]  }
0x3d: {  	_ =	shalt  }
0x3e: {  	_ =	shalt  }
0x3f: {  	_ =	shalt  }
0x40: {  	_ =	shalt  }
0x41: {  	_ =	shalt  }
0x42: {  	_ =	shalt  }
0x43: {  	_ =	shalt  }
0x44: {  	_ =	shalt  }
0x45: {  	_ =	shalt  }
0x46: {  	_ =	shalt  }
0x47: {  	_ =	shalt  }
0x48: {  	_ =	shalt  }
0x49: {  	_ =	shalt  }
0x4a: {  	_ =	shalt  }
0x4b: {  	_ =	shalt  }
0x4c: {  	_ =	shalt  }
0x4d: {  	_ =	shalt  }
0x4e: {  	_ =	shalt  }
0x4f: {  	_ =	shalt  }
0x50: {  	_ =	shalt  }
0x51: {  	_ =	shalt  }
0x52: {  	_ =	shalt  }
0x53: {  	_ =	shalt  }
0x54: {  	_ =	shalt  }
0x55: {  	_ =	shalt  }
0x56: {  	_ =	shalt  }
0x57: {  	_ =	shalt  }
0x58: {  	_ =	shalt  }
0x59: {  	_ =	shalt  }
0x5a: {  	_ =	shalt  }
0x5b: {  	_ =	shalt  }
0x5c: {  	_ =	shalt  }
0x5d: {  	_ =	shalt  }
0x5e: {  	_ =	shalt  }
0x5f: {  	_ =	shalt  }
0x60: {  	_ =	shalt  }
0x61: {  	_ =	shalt  }
0x62: {  	_ =	shalt  }
0x63: {  	_ =	shalt  }
0x64: {  	_ =	shalt  }
0x65: {  	_ =	shalt  }
0x66: {  	_ =	shalt  }
0x67: {  	_ =	shalt  }
0x68: {  	_ =	shalt  }
0x69: {  	_ =	shalt  }
0x6a: {  	_ =	shalt  }
0x6b: {  	_ =	shalt  }
0x6c: {  	_ =	shalt  }
0x6d: {  	_ =	shalt  }
0x6e: {  	_ =	shalt  }
0x6f: {  	_ =	shalt  }
0x70: {  	_ =	shalt  }
0x71: {  	_ =	shalt  }
0x72: {  	_ =	shalt  }
0x73: {  	_ =	shalt  }
0x74: {  	_ =	shalt  }
0x75: {  	_ =	shalt  }
0x76: {  	_ =	shalt  }
0x77: {  	_ =	shalt  }
0x78: {  	_ =	shalt  }
0x79: {  	_ =	shalt  }
0x7a: {  	_ =	shalt  }
0x7b: {  	_ =	shalt  }
0x7c: {  	_ =	shalt  }
0x7d: {  	_ =	shalt  }
0x7e: {  	_ =	shalt  }
0x7f: {  	_ =	shalt  }
0x80: {  	_ =	shalt  }
0x81: {  	_ =	shalt  }
0x82: {  	_ =	shalt  }
0x83: {  	_ =	shalt  }
0x84: {  	_ =	shalt  }
0x85: {  	_ =	shalt  }
0x86: {  	_ =	shalt  }
0x87: {  	_ =	shalt  }
.Lfunc_end0:
.L_simem_size_0:
called_computation.1_lowered:
.L_overlay_start_0:
0x88: {  	s2 =	sld [smem:$0x3FD9]  }
0x89: {  	s3 =	sld [smem:$0x3FFE];
	_ =	sdelay $0x1  }
0x8a: {  	s1 =	srdreg.scid  }
0x8b: {  	s0 =	sand.u32 $0x1, s1  }
0x8c: {  	s14 =	sshll.u32 s0, $0xA;
	s2 =	sadd.s32 s3, s2  }
0x8d: {  	s2 =	sadd.s32 s2, s14  }
0x8e: {  	[smem:$0x3FBE] =	sst s2  }
0x8f: {  	_ = 	snop  }
0x90: {  	s2 =	sld [smem:$0x3FD0];
	_ =	sdelay $0x2  }
0x91: {  	s15 =	simm.s32 $0xA;
	s4 =	simm.s32 $0x10  }
0x92: {  	[smem:s4], [sflag:s15] =	dma.local [hbm:s2], $0x1  }
0x93: {  	_ =	swait.eq [sflag:s15], $0x1  }
0x94: {  	[sflag:s15] =	ssyncset.done $0x0  }
0x95: {  	[sflag:s15] =	ssyncadd.s32 $0xFFFFFFFF  }
0x96: {  	s16 =	sld [smem:$0x11];
	(tm) =	ssettm $0x1  }
0x97: {  	s17 =	sld [smem:$0x3FFB];
	_ =	sdelay $0x3  }
0x98: {  	_ =	strace s17  }
0x99: {  	s3 =	sld [smem:$0x3FFC];
	_ =	sdelay $0x3  }
0x9a: {  	_ =	strace s3  }
0x9b: {  	s3 =	sld [smem:$0x3FFD];
	_ =	sdelay $0x3  }
0x9c: {  	_ =	strace s3  }
0x9d: {  	_ =	strace $0x8FFFFFFF  }
0x9e: {  	s18 =	sld [smem:$0x3FDB];
	_ =	sdelay $0x1  }
0x9f: {  	s19 =	simm.s32 $_scs_section_size  }
0xa0: {  	s5 =	simm.s32 $_size__tile_overlayer_lowered;
	s6 =	simm.s32 $_tile_overlayer_lowered  }
0xa1: {  	s22 =	simm.s32 $0x1BFF;
	s21 =	sshll.u32 s6, $0x1;
	s3 =	sadd.s32 s19, s18  }
0xa2: {  	s7 =	simm.s32 $0x0;
	s20 =	sshll.u32 s5, $0x1;
	s5 =	sadd.s32 s21, s3  }
0xa3: {  	[timem:s7], [sflag:s22] =	dma.local [hbm:s5], s20  }
0xa4: {  	_ =	swait.ge [sflag:s22], s20  }
0xa5: {  	s4 =	ssub.s32 $0x0, s20;
	[sflag:s22] =	ssyncset.done $0x0  }
0xa6: {  	[sflag:s22] =	ssyncadd.s32 s4;
	_ =	sdelay $0x1  }
0xa7: {  	s23 =	simm.s32 $0x1B8B  }
0xa8: {  	_ =	swait.ge [sflag:s23], $0x1  }
0xa9: {  	[sflag:s23] =	ssyncset.done $0x0  }
0xaa: {  	s25 =	simm.s32 $0x1B8E;
	s24 =	sld [smem:$0x3FFE];
	[sflag:s23] =	ssyncadd.s32 $0xFFFFFFFF  }
0xab: {  	s26 =	simm.s32 $execute0_lowered;
	[smem:$0x3FD2] =	sst s25  }
0xac: {  	s5 =	sshll.u32 s26, $0x1;
	_ =	strace $0x80000046;
	[dreg:$0x1] =	wrdreg $0xFFFFFFFF  }
0xad: {  	s28 =	simm.s32 $_size_execute0_lowered;
	s3 =	sadd.s32 s3, s5;
	[dreg:$0x0] =	wrdreg $0x0  }
0xae: {  	s5 =	sshll.u32 s28, $0x1;
	[dreg:$0x2] =	wrdreg s3  }
0xaf: {  	[dreg:$0x3] =	wrdreg s5  }
0xb0: {  	[dreg:$0x4] =	wrdreg $0xC0  }
0xb1: {  	_ =	task [dreg:s7], $0x5FFFF  }
0xb2: {  	[dreg:$0x1] =	wrdreg $0xFFFFFFFF  }
0xb3: {  	[dreg:$0x0] =	wrdreg $0x60  }
0xb4: {  	[dreg:$0x2] =	wrdreg s16  }
0xb5: {  	[dreg:$0x3] =	wrdreg s24  }
0xb6: {  	[dreg:$0x4] =	wrdreg $0x9  }
0xb7: {  	_ =	task.clear_ibuf [dreg:s7], $0x5FFFF;
	_ =	strace $0x90000046  }
0xb8: {  	s29 =	simm.s32 $0x9;
	_ =	strace $0x80000048  }
0xb9: {  	_ =	swait.ge [sflag:s29], $0x1  }
0xba: {  	[sflag:s29] =	ssyncadd.s32 $0xFFFFFFFF  }
0xbb: {  	_ =	strace $0x90000048  }
0xbc: {  	_ =	sfence  }
0xbd: {  	s30 =	sld [smem:$0x0];
	_ =	sdelay $0x2  }
0xbe: {  	s31 =	sshll.u32 s1, $0xD;
	s1 =	sshrl.u32 s1, $0x2  }
0xbf: {  	s3 =	sand.u32 $0x4000, s31;
	s1 =	sadd.s32 s1, s30  }
0xc0: {  	s0 =	sor.u32 s3, s0;
	s1 =	sshll.u32 s1, $0x11  }
0xc1: {  	s0 =	sor.u32 s1, s0  }
0xc2: {  	s0 =	sadd.s32 $0x8F2B, s0  }
0xc3: {  	[sflag:s0] =	ssyncadd.remote.s32 $0x1  }
0xc4: {  	_ =	sfence.sel $0xFFFF  }
0xc5: {  	[dreg:$0x0] =	wrdreg $0xFFFFFFFF;
	(pc) =	sbr.abs _section_cstart, $3  }
0xc6: {  	[dreg:$0x1] =	wrdreg $0xFFFFFFFF  }
0xc7: {  	_ =	task.clear_ibuf [dreg:s7], $0x2FFFF;
	_ =	strace $0x9FFFFFFF  }
0xc8: {  	(tm) =	ssettm $0x7FFFFFFF  }
0xc9: {  	_ =	shalt  }
tec
execute0_lowered:
.L_overlay_start_1:
0x0: {  	(tag) =	ssettag $0x1  }
0x1: {  	s1 =	rddreg [dreg:$0x0]  }
0x2: {  	s4 =	rddreg [dreg:$0x1]  }
0x3: {  	s0 =	rddreg [dreg:$0x2];
	s3 =	simm.s32 $0x0;
	s5 =	srdreg.scid  }
0x4: {  	s2 =	stileid.u32;
	s12 =	simm.s32 $0x2;
	s13 =	simm.s32 $0x5000  }
0x5: {  	s14 =	simm.s32 $0x0;
	[smem:$0x7FF] =	sst s3;
	s6 =	sand.u32 $0x1, s5  }
0x6: {  	s23 =	sshll.u32 s2, $0x7;
	s8 =	sadd.s32 $0x9C00, s4;
	s24 =	sadd.s32 $0x89C00, s4  }
0x7: {  	s29 =	sshll.u32 s2, $0xF;
	s11 =	sshll.u32 s2, $0x12;
	_ =	strace $0x80000047  }
0x8: {  	s7 =	sshll.u32 s6, $0x6;
	s9 =	ssub.s32 $0x2, s6;
	s30 =	sshll.u32 s6, $0xE  }
0x9: {  	s31 =	sshll.u32 s6, $0x11;
	s5 =	sor.u32 s7, s23;
	s25 =	sshrl.u32 s9, $0x1  }
0xa: {  	s7 =	sadd.s32 s11, s24;
	s11 =	simm.s32 $0x1000;
	s10 =	sshll.u32 s5, $0x8  }
0xb: {  	s9 =	ssub.s32 s9, s25;
	s26 =	sshll.u32 s5, $0xB;
	s7 =	sadd.s32 s31, s7  }
0xc: {  	s4 =	sadd.s32 s8, s10;
	s5 =	smax.u32 s9, $0x1;
	s8 =	sadd.s32 s29, s8  }
0xd: {  	s28 =	sadd.s32 s26, s24;
	s9 =	simm.s32 $0x3;
	s8 =	sadd.s32 s30, s8  }
0xe: {  	s10 =	simm.s32 $0x800;
	s6 =	sadd.s32 $0x1F800, s28;
	s8 =	sadd.s32 $0x100, s8  }
.LBB2_1:
0xf: {  	[tilespmem:s3], [sflag:$0x3] =	stream.linear.gather [hbm4b:s4+s3], $0x800, $0x38;
	[tilespmem:$0x9000] =	vst v63  }
0x10: {  	_ =	swait.ge [sflag:s9], $0x800  }
0x11: {  	s15 =	sand.u32 $0x1, s3;
	[sflag:s9] =	ssyncset.done $0x0  }
0x12: {  	p0 =	seq.s32 s15, $0x1;
	[sflag:s9] =	ssyncadd.s32 $0xFFFFF800  }
0x13: {  	[tilespmem:s11], [sflag:$0x1] =	stream.indirect.gather [hbm4b:s1+s10], $0x8, s3, s10, $0xb8;
	[tilespmem:$0x9000] =	vst v63  }
0x14: {  	s15 =	simm.s32 @p0 $0x0;
	s16 =	simm.s32 @p0 $0x4  }
0x15: {  	[tilespmem:s15], [sflag:$0x4] =	stream.linear.gather @p0 [hbm4b:s8+s15], $0x800, $0x38;
	[tilespmem:$0x9000] =	vst v63  }
0x16: {  	_ =	swait.ge @p0 [sflag:s16], $0x800  }
0x17: {  	s17 =	simm.s32 @p0 $0x2;
	[sflag:s16] =	ssyncset.done @p0 $0x0  }
0x18: {  	s18 =	simm.s32 @p0 $0x1000;
	[sflag:s16] =	ssyncadd.s32 @p0 $0xFFFFF800;
	s16 =	simm.s32 @p0 $0x800  }
0x19: {  	[tilespmem:s18], [sflag:$0x1] =	stream.indirect.gather @p0 [hbm4b:s1+s16], $0x8, s15, s16, $0xb8;
	[tilespmem:$0x9000] =	vst v63  }
0x1a: {  	_ =	swait.ge @p0 [sflag:s17], $0x4000  }
0x1b: {  	[sflag:s17] =	ssyncset.done @p0 $0x0  }
0x1c: {  	s16 =	simm.s32 @p0 $0x5000;
	[sflag:s17] =	ssyncadd.s32 @p0 $0xFFFFC000  }
0x1d: {  	[hbm4b:s7+s15] =	stream.linear.scatter @p0 [tilespmem:s16], [sflag:$0x3], $0x4000, $0x38;
	[tilespmem:$0x9000] =	vst v63  }
0x1e: {  	s18 =	simm.s32 @!p0 $0x4;
	s15 =	simm.s32 @!p0 $0x0;
	s16 =	simm.s32 @!p0 $0x800  }
0x1f: {  	[tilespmem:s16], [sflag:$0x4] =	stream.linear.gather @!p0 [hbm4b:s8+s15], $0x800, $0x38;
	[tilespmem:$0x9000] =	vst v63  }
0x20: {  	_ =	swait.ge @!p0 [sflag:s18], $0x800  }
0x21: {  	[sflag:s18] =	ssyncset.done @!p0 $0x0  }
0x22: {  	s19 =	simm.s32 @!p0 $0x1;
	s17 =	simm.s32 @!p0 $0x5000;
	[sflag:s18] =	ssyncadd.s32 @!p0 $0xFFFFF800  }
0x23: {  	[tilespmem:s17], [sflag:$0x2] =	stream.indirect.gather @!p0 [hbm4b:s1+s16], $0x8, s16, s16, $0xb8;
	[tilespmem:$0x9000] =	vst v63  }
0x24: {  	s30 =	simm.s32 $0x1;
	_ =	swait.ge @!p0 [sflag:s19], $0x4000  }
0x25: {  	s31 =	sand.u32 $0x1, s30;
	[sflag:s19] =	ssyncset.done @!p0 $0x0  }
0x26: {  	s18 =	simm.s32 @p0 $0x3;
	[sflag:s19] =	ssyncadd.s32 @!p0 $0xFFFFC000;
	s19 =	simm.s32 @!p0 $0x1000  }
0x27: {  	[hbm4b:s7+s15] =	stream.linear.scatter @!p0 [tilespmem:s19], [sflag:$0x4], $0x4000, $0x38;
	[tilespmem:$0x9000] =	vst v63  }
0x28: {  	s17 =	simm.s32 $0x2;
	s16 =	sadd.s32 $0x100, s8;
	_ =	swait.ge [sflag:s18], $0x4000  }
0x29: {  	p0 =	seq.s32 s31, $0x1;
	s15 =	sadd.s32 $0x800, s7;
	[sflag:s18] =	ssyncset.done $0x0  }
.LBB2_2:
0x2a: {  	s19 =	simm.s32 @p0 $0x0;
	s20 =	simm.s32 @p0 $0x4;
	[sflag:s18] =	ssyncadd.s32 $0xFFFFC000  }
0x2b: {  	[tilespmem:s19], [sflag:$0x4] =	stream.linear.gather @p0 [hbm4b:s16+s19], $0x800, $0x38;
	[tilespmem:$0x9000] =	vst v63  }
0x2c: {  	s21 =	smov.u32 s17;
	s17 =	sadd.s32 $0x1, s17;
	_ =	swait.ge @p0 [sflag:s20], $0x800  }
0x2d: {  	s18 =	simm.s32 @p0 $0x2;
	p1 =	sne.s32 s17, $0x3F;
	[sflag:s20] =	ssyncset.done @p0 $0x0  }
0x2e: {  	s22 =	simm.s32 @p0 $0x1000;
	[sflag:s20] =	ssyncadd.s32 @p0 $0xFFFFF800;
	s20 =	simm.s32 @p0 $0x800  }
0x2f: {  	[tilespmem:s22], [sflag:$0x1] =	stream.indirect.gather @p0 [hbm4b:s1+s20], $0x8, s19, s20, $0xb8;
	[tilespmem:$0x9000] =	vst v63  }
0x30: {  	_ =	swait.ge @p0 [sflag:s18], $0x4000  }
0x31: {  	[sflag:s18] =	ssyncset.done @p0 $0x0  }
0x32: {  	[sflag:s18] =	ssyncadd.s32 @p0 $0xFFFFC000;
	s18 =	simm.s32 @p0 $0x5000  }
0x33: {  	[hbm4b:s15+s19] =	stream.linear.scatter @p0 [tilespmem:s18], [sflag:$0x3], $0x4000, $0x38;
	[tilespmem:$0x9000] =	vst v63  }
0x34: {  	s20 =	simm.s32 @!p0 $0x800;
	s19 =	simm.s32 @!p0 $0x0;
	s18 =	simm.s32 @!p0 $0x4  }
0x35: {  	[tilespmem:s20], [sflag:$0x4] =	stream.linear.gather @!p0 [hbm4b:s16+s19], $0x800, $0x38;
	[tilespmem:$0x9000] =	vst v63  }
0x36: {  	_ =	swait.ge @!p0 [sflag:s18], $0x800  }
0x37: {  	[sflag:s18] =	ssyncset.done @!p0 $0x0  }
0x38: {  	s23 =	simm.s32 @!p0 $0x1;
	s22 =	simm.s32 @!p0 $0x5000;
	[sflag:s18] =	ssyncadd.s32 @!p0 $0xFFFFF800  }
0x39: {  	[tilespmem:s22], [sflag:$0x2] =	stream.indirect.gather @!p0 [hbm4b:s1+s20], $0x8, s20, s20, $0xb8;
	[tilespmem:$0x9000] =	vst v63  }
0x3a: {  	_ =	swait.ge @!p0 [sflag:s23], $0x4000  }
.Ltmp0:
0x3b: {  	[sflag:s23] =	ssyncset.done @!p0 $0x0;
	(pc) =	sbr.rel @p1 .LBB2_2-.Ltmp0, $4  }
0x3c: {  	s18 =	simm.s32 @p0 $0x3;
	s20 =	simm.s32 @!p0 $0x1000;
	[sflag:s23] =	ssyncadd.s32 @!p0 $0xFFFFC000  }
0x3d: {  	[hbm4b:s15+s19] =	stream.linear.scatter @!p0 [tilespmem:s20], [sflag:$0x4], $0x4000, $0x38;
	[tilespmem:$0x9000] =	vst v63  }
0x3e: {  	s16 =	sadd.s32 $0x100, s16;
	s19 =	sand.u32 $0x1, s21;
	_ =	swait.ge [sflag:s18], $0x4000  }
0x3f: {  	s15 =	sadd.s32 $0x800, s15;
	p0 =	seq.s32 s19, $0x1;
	[sflag:s18] =	ssyncset.done $0x0  }
0x40: {  	s17 =	simm.s32 @p0 $0x0;
	s19 =	simm.s32 @p0 $0x4;
	[sflag:s18] =	ssyncadd.s32 $0xFFFFC000  }
0x41: {  	[tilespmem:s17], [sflag:$0x4] =	stream.linear.gather @p0 [hbm4b:s16+s17], $0x800, $0x38;
	[tilespmem:$0x9000] =	vst v63  }
0x42: {  	_ =	swait.ge @p0 [sflag:s19], $0x800  }
0x43: {  	s18 =	simm.s32 @p0 $0x2;
	[sflag:s19] =	ssyncset.done @p0 $0x0  }
0x44: {  	s20 =	simm.s32 @p0 $0x1000;
	[sflag:s19] =	ssyncadd.s32 @p0 $0xFFFFF800;
	s19 =	simm.s32 @p0 $0x800  }
0x45: {  	[tilespmem:s20], [sflag:$0x1] =	stream.indirect.gather @p0 [hbm4b:s1+s19], $0x8, s17, s19, $0xb8;
	[tilespmem:$0x9000] =	vst v63  }
0x46: {  	_ =	swait.ge @p0 [sflag:s18], $0x4000  }
0x47: {  	[sflag:s18] =	ssyncset.done @p0 $0x0  }
0x48: {  	[sflag:s18] =	ssyncadd.s32 @p0 $0xFFFFC000;
	s18 =	simm.s32 @p0 $0x5000  }
0x49: {  	[hbm4b:s15+s17] =	stream.linear.scatter @p0 [tilespmem:s18], [sflag:$0x3], $0x4000, $0x38;
	[tilespmem:$0x9000] =	vst v63  }
0x4a: {  	s19 =	simm.s32 @!p0 $0x4;
	s17 =	simm.s32 @!p0 $0x0;
	s18 =	simm.s32 @!p0 $0x800  }
0x4b: {  	[tilespmem:s18], [sflag:$0x4] =	stream.linear.gather @!p0 [hbm4b:s16+s17], $0x800, $0x38;
	[tilespmem:$0x9000] =	vst v63  }
0x4c: {  	_ =	swait.ge @!p0 [sflag:s19], $0x800  }
0x4d: {  	[sflag:s19] =	ssyncset.done @!p0 $0x0  }
0x4e: {  	s20 =	simm.s32 @!p0 $0x1;
	s16 =	simm.s32 @!p0 $0x5000;
	[sflag:s19] =	ssyncadd.s32 @!p0 $0xFFFFF800  }
0x4f: {  	[tilespmem:s16], [sflag:$0x2] =	stream.indirect.gather @!p0 [hbm4b:s1+s18], $0x8, s18, s18, $0xb8;
	[tilespmem:$0x9000] =	vst v63  }
0x50: {  	_ =	swait.ge @!p0 [sflag:s20], $0x4000  }
0x51: {  	[sflag:s20] =	ssyncset.done @!p0 $0x0  }
0x52: {  	s19 =	simm.s32 @p0 $0x3;
	s16 =	simm.s32 @!p0 $0x1000;
	[sflag:s20] =	ssyncadd.s32 @!p0 $0xFFFFC000  }
0x53: {  	[hbm4b:s15+s17] =	stream.linear.scatter @!p0 [tilespmem:s16], [sflag:$0x4], $0x4000, $0x38;
	[tilespmem:$0x9000] =	vst v63  }
0x54: {  	_ =	swait.ge [sflag:s19], $0x4000  }
0x55: {  	[sflag:s19] =	ssyncset.done $0x0  }
0x56: {  	[sflag:s19] =	ssyncadd.s32 $0xFFFFC000  }
0x57: {  	s14 =	sadd.s32 $0x1, s14;
	_ =	swait.ge [sflag:s12], $0x4000  }
0x58: {  	p0 =	sne.s32 s14, s5;
	[sflag:s12] =	ssyncset.done $0x0  }
.Ltmp1:
0x59: {  	[sflag:s12] =	ssyncadd.s32 $0xFFFFC000;
	(pc) =	sbr.rel @p0 .LBB2_1-.Ltmp1, $4  }
0x5a: {  	[hbm4b:s6+s3] =	stream.linear.scatter [tilespmem:s13], [sflag:$0x3], $0x4000, $0x38;
	[tilespmem:$0x9000] =	vst v63  }
0x5b: {  	_ =	swait.ge [sflag:s9], $0x4000  }
0x5c: {  	[sflag:s9] =	ssyncset.done $0x0  }
0x5d: {  	[sflag:s9] =	ssyncadd.s32 $0xFFFFC000  }
0x5e: {  	_ =	sfence.sel $0x180000  }
0x5f: {  	[bflag:$0x0] =	sbarrier.arrive $0xFFFF  }
0x60: {  	p0 =	sne.s32 s2, $0x0;
	_ =	strace $0x90000047  }
0x61: {  	s0 =	sadd.s32 @!p0 $0x100000, s0;
	[bflag:$0x2] =	sbarrier.arrive $0xFFFF  }
0x62: {  	[sflag:s0] =	ssyncadd.tile.s32 @!p0 $0x1;
	_ =	shalt  }
.Lfunc_end2:
_tile_overlayer_lowered:
.L_overlay_start_2:
0x63: {  	(tag) =	ssettag $0x2  }
0x64: {  	s0 =	rddreg [dreg:$0x0];
	s2 =	stileid.u32  }
0x65: {  	s1 =	rddreg [dreg:$0x1];
	p0 =	sne.s32 s2, $0x0  }
0x66: {  	s3 =	rddreg [dreg:$0x2];
	[bflag:$0x3] =	sbarrier.arrive $0xFFFF;
	s2 =	simm.s32 @!p0 $0x1C03  }
0x67: {  	[timem:s3], [sflag:s2] =	dma.local @!p0 [hbm:s0], s1  }
0x68: {  	s0 =	simm.s32 @!p0 $0x3  }
0x69: {  	_ =	swait.ge @!p0 [sflag:s0], s1  }
0x6a: {  	s1 =	ssub.s32 @!p0 $0x0, s1;
	[sflag:s0] =	ssyncset.done @!p0 $0x0  }
0x6b: {  	[sflag:s0] =	ssyncadd.s32 @!p0 s1  }
0x6c: {  	[bflag:$0x3] =	sbarrier.arrive $0xFFFF  }
0x6d: {  	_ =	shalt  }

// kernel: sparse-core-data-format-call.cloned.1.call-start
scs
called_computation_lowered:
.L_overlay_start_0:
0x0: {  	s2 =	sld [smem:$0x3FD9]  }
0x1: {  	s3 =	sld [smem:$0x3FFE];
	_ =	sdelay $0x1  }
0x2: {  	s1 =	srdreg.scid  }
0x3: {  	s0 =	sand.u32 $0x1, s1  }
0x4: {  	s15 =	sshll.u32 s0, $0xA;
	s2 =	sadd.s32 s3, s2  }
0x5: {  	s2 =	sadd.s32 s2, s15  }
0x6: {  	[smem:$0x3FBE] =	sst s2  }
0x7: {  	_ = 	snop  }
0x8: {  	s2 =	sld [smem:$0x3FD0];
	_ =	sdelay $0x2  }
0x9: {  	s16 =	simm.s32 $0xA;
	s4 =	simm.s32 $0x10  }
0xa: {  	[smem:s4], [sflag:s16] =	dma.local [hbm:s2], $0x1  }
0xb: {  	_ =	swait.eq [sflag:s16], $0x1  }
0xc: {  	[sflag:s16] =	ssyncset.done $0x0  }
0xd: {  	[sflag:s16] =	ssyncadd.s32 $0xFFFFFFFF  }
0xe: {  	s17 =	sld [smem:$0x11];
	(tm) =	ssettm $0x1  }
0xf: {  	s18 =	sld [smem:$0x3FFB];
	_ =	sdelay $0x3  }
0x10: {  	_ =	strace s18  }
0x11: {  	s3 =	sld [smem:$0x3FFC];
	_ =	sdelay $0x3  }
0x12: {  	_ =	strace s3  }
0x13: {  	s3 =	sld [smem:$0x3FFD];
	_ =	sdelay $0x3  }
0x14: {  	_ =	strace s3  }
0x15: {  	_ =	strace $0x8FFFFFFF  }
0x16: {  	s19 =	sld [smem:$0x3FDB];
	_ =	sdelay $0x1  }
0x17: {  	s20 =	simm.s32 $_scs_section_size  }
0x18: {  	s5 =	simm.s32 $_size__tile_overlayer_lowered;
	s6 =	simm.s32 $_tile_overlayer_lowered  }
0x19: {  	s23 =	simm.s32 $0x1BFF;
	s22 =	sshll.u32 s6, $0x1;
	s3 =	sadd.s32 s20, s19  }
0x1a: {  	s7 =	simm.s32 $0x0;
	s21 =	sshll.u32 s5, $0x1;
	s5 =	sadd.s32 s22, s3  }
0x1b: {  	[timem:s7], [sflag:s23] =	dma.local [hbm:s5], s21  }
0x1c: {  	_ =	swait.ge [sflag:s23], s21  }
0x1d: {  	s4 =	ssub.s32 $0x0, s21;
	[sflag:s23] =	ssyncset.done $0x0  }
0x1e: {  	[sflag:s23] =	ssyncadd.s32 s4;
	_ =	sdelay $0x1  }
0x1f: {  	s24 =	simm.s32 $0x1B8B  }
0x20: {  	_ =	swait.ge [sflag:s24], $0x1  }
0x21: {  	[sflag:s24] =	ssyncset.done $0x0  }
0x22: {  	s26 =	simm.s32 $0x1B8E;
	s25 =	sld [smem:$0x3FFE];
	[sflag:s24] =	ssyncadd.s32 $0xFFFFFFFF  }
0x23: {  	s27 =	simm.s32 $execute0_lowered;
	[smem:$0x3FD2] =	sst s26  }
0x24: {  	s5 =	sshll.u32 s27, $0x1;
	_ =	strace $0x80000049;
	[dreg:$0x1] =	wrdreg $0xFFFFFFFF  }
0x25: {  	s28 =	simm.s32 $_size_execute0_lowered;
	s3 =	sadd.s32 s3, s5;
	[dreg:$0x0] =	wrdreg $0x0  }
0x26: {  	s5 =	sshll.u32 s28, $0x1;
	[dreg:$0x2] =	wrdreg s3  }
0x27: {  	[dreg:$0x3] =	wrdreg s5  }
0x28: {  	[dreg:$0x4] =	wrdreg $0xC0  }
0x29: {  	_ =	task [dreg:s7], $0x5FFFF  }
0x2a: {  	[dreg:$0x1] =	wrdreg $0xFFFFFFFF  }
0x2b: {  	[dreg:$0x0] =	wrdreg $0x60  }
0x2c: {  	[dreg:$0x2] =	wrdreg s25  }
0x2d: {  	[dreg:$0x3] =	wrdreg s17  }
0x2e: {  	[dreg:$0x4] =	wrdreg $0x9  }
0x2f: {  	_ =	task.clear_ibuf [dreg:s7], $0x5FFFF;
	_ =	strace $0x90000049  }
0x30: {  	s29 =	simm.s32 $0x9;
	_ =	strace $0x8000004B  }
0x31: {  	_ =	swait.ge [sflag:s29], $0x1  }
0x32: {  	[sflag:s29] =	ssyncadd.s32 $0xFFFFFFFF  }
0x33: {  	_ =	strace $0x9000004B  }
0x34: {  	_ =	sfence  }
0x35: {  	s30 =	sld [smem:$0x0];
	_ =	sdelay $0x2  }
0x36: {  	s31 =	sshll.u32 s1, $0xD;
	s1 =	sshrl.u32 s1, $0x2  }
0x37: {  	s3 =	sand.u32 $0x4000, s31;
	s1 =	sadd.s32 s1, s30  }
0x38: {  	s0 =	sor.u32 s3, s0;
	s1 =	sshll.u32 s1, $0x11  }
0x39: {  	s0 =	sor.u32 s1, s0  }
0x3a: {  	s0 =	sadd.s32 $0x8F2B, s0  }
0x3b: {  	[sflag:s0] =	ssyncadd.remote.s32 $0x1  }
0x3c: {  	_ =	sfence.sel $0xFFFF  }
0x3d: {  	[dreg:$0x0] =	wrdreg $0xFFFFFFFF;
	(pc) =	sbr.abs _section_cstart, $3  }
0x3e: {  	[dreg:$0x1] =	wrdreg $0xFFFFFFFF  }
0x3f: {  	_ =	task.clear_ibuf [dreg:s7], $0x2FFFF;
	_ =	strace $0x9FFFFFFF  }
0x40: {  	(tm) =	ssettm $0x7FFFFFFF  }
0x41: {  	_ =	shalt  }
tec
execute0_lowered:
.L_overlay_start_1:
0x0: {  	(tag) =	ssettag $0x1  }
0x1: {  	s0 =	srdreg.scid  }
0x2: {  	s1 =	rddreg [dreg:$0x0];
	s2 =	stileid.u32;
	_ =	strace $0x8000004A  }
0x3: {  	s4 =	simm.s32 $0x1;
	s18 =	simm.s32 $0x2;
	s15 =	sadd.s32 $0x489C00, s1  }
0x4: {  	s29 =	simm.s32 $0x0;
	s5 =	sadd.s32 $0x491C00, s1;
	[dreg:$0x3] =	wrdreg s15  }
0x5: {  	s30 =	simm.s32 $0x0;
	s6 =	sadd.s32 $0x499C00, s1;
	[dreg:$0x4] =	wrdreg s5  }
0x6: {  	s28 =	simm.s32 $0x0;
	s19 =	sadd.s32 $0x4A1C00, s1;
	[dreg:$0x5] =	wrdreg s6  }
0x7: {  	s0 =	sshll.u32 s0, $0x4;
	s20 =	sadd.s32 $0x4A9C00, s1;
	[dreg:$0x6] =	wrdreg s19  }
0x8: {  	[sflag:s4] =	ssyncpa.u1 $0x0;
	s21 =	sadd.s32 $0x4B1C00, s1;
	[dreg:$0x7] =	wrdreg s20  }
0x9: {  	s22 =	sadd.s32 $0x4B9C00, s1;
	s23 =	sadd.s32 $0x4C1C00, s1;
	[dreg:$0x8] =	wrdreg s21  }
0xa: {  	s24 =	sadd.s32 $0x4C9C00, s1;
	s25 =	sadd.s32 $0x4D1C00, s1;
	[dreg:$0x9] =	wrdreg s22  }
0xb: {  	s26 =	sadd.s32 $0x4D9C00, s1;
	s0 =	sand.u32 $0x10, s0;
	[dreg:$0xa] =	wrdreg s23  }
0xc: {  	s31 =	sadd.s32 $0x4E1C00, s1;
	[dreg:$0xb] =	wrdreg s24;
	s0 =	sor.u32 s2, s0  }
0xd: {  	[sflag:s18] =	ssyncpa.u1 $0x0;
	[dreg:$0xc] =	wrdreg s25;
	s3 =	sshll.u32 s0, $0x4  }
0xe: {  	[dreg:$0xd] =	wrdreg s26;
	s18 =	sadd.s32 $0x4F1C00, s1;
	s16 =	ssub.s32 $0x800, s3  }
0xf: {  	[dreg:$0xe] =	wrdreg s31;
	s20 =	sadd.s32 $0x4F9C00, s1;
	s0 =	sand.u32 $0x1F0, s16  }
.Ltmp0:
0x10: {  	p0 =	sne.s32 s0, $0x0;
	s0 =	simm.s32 $0x1;
	(pc) =	sbr.rel .LBB1_1-.Ltmp0, $4  }
0x11: {  	s21 =	sadd.s32 $0x501C00, s1;
	s17 =	sshrl.u32 s16, $0x9;
	s0 =	simm.s32 @!p0 $0x0  }
0x12: {  	s23 =	simm.s32 $0x8;
	s24 =	simm.s32 $0x80;
	s0 =	sadd.s32 s0, s17  }
0x13: {  	s26 =	simm.s32 $0x0;
	s27 =	smov.u32 s3;
	s19 =	sshll.u32 s0, $0x4  }
0x14: {  	p0 =	por $0x0, $0x0;
	s17 =	sadd.s32 $0x4E9C00, s1;
	s22 =	sor.u32 $0x1, s19  }
.LBB1_9:
0x15: {  	s0 =	sadd.s32 $0x80, s26  }
0x16: {  	s2 =	sadd.s32 $0x200, s27;
	s5 =	smov.u32 s27;
	p2 =	sgt.s32 s0, $0x7FF  }
0x17: {  	s5 =	smov.u32 @p2 s2  }
0x18: {  	s0 =	simm.s32 @p2 $0x0;
	p2 =	sgt.s32 s5, $0x7FF  }
0x19: {  	s5 =	smov.u32 @p2 s3;
	p2 =	sne.s32 s28, s22  }
.Ltmp1:
0x1a: {  	p1 =	slt.u32 s28, $0x2;
	(pc) =	sbr.rel @!p2 .LBB1_10-.Ltmp1, $4  }
0x1b: {  	s1 =	simm.s32 @!p1 $0x2  }
0x1c: {  	s29 =	smov.u32 s26;
	s30 =	smov.u32 s27;
	_ =	swait.ge @!p1 [sflag:s1], $0x4000  }
0x1d: {  	p0 =	por !p0, !p0;
	[sflag:s1] =	ssyncset.done @!p1 $0x0;
	s26 =	smov.u32 s0  }
0x1e: {  	s28 =	sadd.s32 $0x1, s28;
	[sflag:s1] =	ssyncadd.s32 @!p1 $0xFFFFC000;
	s27 =	smov.u32 s5  }
.LBB1_1:
0x1f: {  	p1 =	sge.u32 s28, s19  }
.Ltmp2:
0x20: {  	_ = 	snop;
	(pc) =	sbr.rel @p1 .LBB1_3-.Ltmp2, $1  }
0x21: {  	_ =	sdelay $0x3  }
0x22: {  	s0 =	sxor.u32 $0xFFFFFFFF, s28  }
0x23: {  	s1 =	sshll.u32 s27, $0xF;
	s2 =	sshll.u32 s26, $0x4;
	s5 =	rddreg [dreg:$0x3]  }
0x24: {  	s0 =	sshll.u32 s0, $0xE;
	s2 =	sand.u32 $0x7FF0, s2;
	s5 =	sadd.s32 s5, s1  }
0x25: {  	s16 =	rddreg [dreg:$0x4];
	s0 =	sand.u32 $0x4000, s0;
	s5 =	sadd.s32 s2, s5  }
0x26: {  	[tilespmem:s0], [sflag:$0x1] =	stream.strided.gather [hbm4b:s5+s23], $0x400, s24, s23, $0x38;
	[tilespmem:$0x10100] =	vst v63  }
0x27: {  	s5 =	sadd.s32 s1, s16  }
0x28: {  	s25 =	rddreg [dreg:$0x5];
	s6 =	sor.u32 $0x400, s0;
	s5 =	sadd.s32 s2, s5  }
0x29: {  	[tilespmem:s6], [sflag:$0x1] =	stream.strided.gather [hbm4b:s5+s23], $0x400, s24, s23, $0x38;
	[tilespmem:$0x10100] =	vst v63  }
0x2a: {  	s5 =	sadd.s32 s1, s25  }
0x2b: {  	s7 =	rddreg [dreg:$0x6];
	s31 =	sor.u32 $0x800, s0;
	s5 =	sadd.s32 s2, s5  }
0x2c: {  	[tilespmem:s31], [sflag:$0x1] =	stream.strided.gather [hbm4b:s5+s23], $0x400, s24, s23, $0x38;
	[tilespmem:$0x10100] =	vst v63  }
0x2d: {  	s5 =	sadd.s32 s1, s7  }
0x2e: {  	s9 =	rddreg [dreg:$0x7];
	s8 =	sor.u32 $0xC00, s0;
	s5 =	sadd.s32 s2, s5  }
0x2f: {  	[tilespmem:s8], [sflag:$0x1] =	stream.strided.gather [hbm4b:s5+s23], $0x400, s24, s23, $0x38;
	[tilespmem:$0x10100] =	vst v63  }
0x30: {  	s5 =	sadd.s32 s1, s9  }
0x31: {  	s11 =	rddreg [dreg:$0x8];
	s10 =	sor.u32 $0x1000, s0;
	s5 =	sadd.s32 s2, s5  }
0x32: {  	[tilespmem:s10], [sflag:$0x1] =	stream.strided.gather [hbm4b:s5+s23], $0x400, s24, s23, $0x38;
	[tilespmem:$0x10100] =	vst v63  }
0x33: {  	s5 =	sadd.s32 s1, s11  }
0x34: {  	s13 =	rddreg [dreg:$0x9];
	s12 =	sor.u32 $0x1400, s0;
	s5 =	sadd.s32 s2, s5  }
0x35: {  	[tilespmem:s12], [sflag:$0x1] =	stream.strided.gather [hbm4b:s5+s23], $0x400, s24, s23, $0x38;
	[tilespmem:$0x10100] =	vst v63  }
0x36: {  	s5 =	sadd.s32 s1, s13  }
0x37: {  	s15 =	rddreg [dreg:$0xa];
	s14 =	sor.u32 $0x1800, s0;
	s5 =	sadd.s32 s2, s5  }
0x38: {  	[tilespmem:s14], [sflag:$0x1] =	stream.strided.gather [hbm4b:s5+s23], $0x400, s24, s23, $0x38;
	[tilespmem:$0x10100] =	vst v63  }
0x39: {  	s5 =	sadd.s32 s1, s15  }
0x3a: {  	s16 =	sor.u32 $0x1C00, s0;
	s25 =	rddreg [dreg:$0xb];
	s5 =	sadd.s32 s2, s5  }
0x3b: {  	[tilespmem:s16], [sflag:$0x1] =	stream.strided.gather [hbm4b:s5+s23], $0x400, s24, s23, $0x38;
	[tilespmem:$0x10100] =	vst v63  }
0x3c: {  	s5 =	sadd.s32 s1, s25  }
0x3d: {  	s31 =	sor.u32 $0x2000, s0;
	s7 =	rddreg [dreg:$0xc];
	s5 =	sadd.s32 s2, s5  }
0x3e: {  	[tilespmem:s31], [sflag:$0x1] =	stream.strided.gather [hbm4b:s5+s23], $0x400, s24, s23, $0x38;
	[tilespmem:$0x10100] =	vst v63  }
0x3f: {  	s5 =	sadd.s32 s1, s7  }
0x40: {  	s8 =	sor.u32 $0x2400, s0;
	s9 =	rddreg [dreg:$0xd];
	s5 =	sadd.s32 s2, s5  }
0x41: {  	[tilespmem:s8], [sflag:$0x1] =	stream.strided.gather [hbm4b:s5+s23], $0x400, s24, s23, $0x38;
	[tilespmem:$0x10100] =	vst v63  }
0x42: {  	s5 =	sadd.s32 s1, s9  }
0x43: {  	s10 =	sor.u32 $0x2800, s0;
	s11 =	rddreg [dreg:$0xe];
	s5 =	sadd.s32 s2, s5  }
0x44: {  	[tilespmem:s10], [sflag:$0x1] =	stream.strided.gather [hbm4b:s5+s23], $0x400, s24, s23, $0x38;
	[tilespmem:$0x10100] =	vst v63  }
0x45: {  	s5 =	sadd.s32 s1, s11  }
0x46: {  	s12 =	sor.u32 $0x2C00, s0;
	s13 =	sadd.s32 s1, s17;
	s5 =	sadd.s32 s2, s5  }
0x47: {  	[tilespmem:s12], [sflag:$0x1] =	stream.strided.gather [hbm4b:s5+s23], $0x400, s24, s23, $0x38;
	[tilespmem:$0x10100] =	vst v63  }
0x48: {  	s14 =	sor.u32 $0x3000, s0;
	s15 =	sadd.s32 s1, s18;
	s5 =	sadd.s32 s2, s13  }
0x49: {  	[tilespmem:s14], [sflag:$0x1] =	stream.strided.gather [hbm4b:s5+s23], $0x400, s24, s23, $0x38;
	[tilespmem:$0x10100] =	vst v63  }
0x4a: {  	s16 =	sor.u32 $0x3400, s0;
	s25 =	sadd.s32 s1, s20;
	s5 =	sadd.s32 s2, s15  }
0x4b: {  	[tilespmem:s16], [sflag:$0x1] =	stream.strided.gather [hbm4b:s5+s23], $0x400, s24, s23, $0x38;
	[tilespmem:$0x10100] =	vst v63  }
0x4c: {  	s31 =	sor.u32 $0x3800, s0;
	s1 =	sadd.s32 s1, s21;
	s5 =	sadd.s32 s2, s25  }
0x4d: {  	[tilespmem:s31], [sflag:$0x1] =	stream.strided.gather [hbm4b:s5+s23], $0x400, s24, s23, $0x38;
	[tilespmem:$0x10100] =	vst v63  }
0x4e: {  	s0 =	sor.u32 $0x3C00, s0;
	s1 =	sadd.s32 s2, s1  }
0x4f: {  	[tilespmem:s0], [sflag:$0x1] =	stream.strided.gather [hbm4b:s1+s23], $0x400, s24, s23, $0x38;
	[tilespmem:$0x10100] =	vst v63  }
.LBB1_3:
0x50: {  	s0 =	sadd.s32 $0xFFFFFFFF, s28  }
0x51: {  	p1 =	sge.u32 s0, s19  }
.Ltmp3:
0x52: {  	_ = 	snop;
	(pc) =	sbr.rel @p1 .LBB1_9-.Ltmp3, $1  }
0x53: {  	_ =	sdelay $0x3  }
0x54: {  	s0 =	simm.s32 $0x1;
	s2 =	sand.u32 $0x1, s28  }
0x55: {  	_ =	swait.ge [sflag:s4], $0x4000;
	s0 =	simm.s32 @!p0 $0x0;
	s2 =	smul.u32 $0x10200, s2  }
0x56: {  	[sflag:s4] =	ssyncset.done $0x0;
	s1 =	smul.u32 $0x10200, s0  }
0x57: {  	s0 =	sshll.u32 s0, $0xE;
	[sflag:s4] =	ssyncadd.s32 $0xFFFFC000  }
0x58: {  	s25 =	sshrl.u32 s2, $0x2;
	s2 =	simm.s32 $0x0;
	s1 =	sshrl.u32 s1, $0x2  }
0x59: {  	s31 =	sor.u32 $0x8000, s25;
	s14 =	sor.u32 $0x8007, s1;
	s1 =	sor.u32 $0x20, s0  }
.LBB1_5:
0x5a: {  	v0 =	vld.msk [tilespmem:s1+$0xFFFFFFE0], $0xff;
	_ =	sdelay $0x4  }
0x5b: {  	[tilespmem:s14+$0xFFFFFFF9 ss:$0x81] =	vst.msk $0xff, v0  }
0x5c: {  	v0 =	vld.msk [tilespmem:s1+$0xFFFFFFE8], $0xff  }
0x5d: {  	s5 =	sadd.s32 $0x40, s1  }
0x5e: {  	v1 =	vld.msk [tilespmem:s5+$0xFFFFFFE0], $0xff;
	_ =	sdelay $0x2  }
0x5f: {  	[tilespmem:s14+$0xFFFFFFFA ss:$0x81] =	vst.msk $0xff, v0  }
0x60: {  	s25 =	sadd.s32 $0x8, s14;
	v0 =	vld.msk [tilespmem:s1+$0xFFFFFFF0], $0xff  }
0x61: {  	[tilespmem:s25+$0xFFFFFFF9 ss:$0x81] =	vst.msk $0xff, v1  }
0x62: {  	v1 =	vld.msk [tilespmem:s5+$0xFFFFFFE8], $0xff  }
0x63: {  	s7 =	sadd.s32 $0x40, s5  }
0x64: {  	v2 =	vld.msk [tilespmem:s7+$0xFFFFFFE0], $0xff  }
0x65: {  	[tilespmem:s14+$0xFFFFFFFB ss:$0x81] =	vst.msk $0xff, v0  }
0x66: {  	v0 =	vld.msk [tilespmem:s1+$0xFFFFFFF8], $0xff  }
0x67: {  	[tilespmem:s25+$0xFFFFFFFA ss:$0x81] =	vst.msk $0xff, v1  }
0x68: {  	s6 =	sadd.s32 $0x8, s25;
	v1 =	vld.msk [tilespmem:s5+$0xFFFFFFF0], $0xff  }
0x69: {  	[tilespmem:s6+$0xFFFFFFF9 ss:$0x81] =	vst.msk $0xff, v2  }
0x6a: {  	s9 =	sadd.s32 $0x40, s7;
	v2 =	vld.msk [tilespmem:s7+$0xFFFFFFE8], $0xff  }
0x6b: {  	[tilespmem:s14+$0xFFFFFFFC ss:$0x81] =	vst.msk $0xff, v0;
	v0 =	vld.msk [tilespmem:s9+$0xFFFFFFE0], $0xff  }
0x6c: {  	v3 =	vld.msk [tilespmem:s1+$0x0], $0xff  }
0x6d: {  	[tilespmem:s25+$0xFFFFFFFB ss:$0x81] =	vst.msk $0xff, v1  }
0x6e: {  	v1 =	vld.msk [tilespmem:s5+$0xFFFFFFF8], $0xff  }
0x6f: {  	s8 =	sadd.s32 $0x8, s6;
	[tilespmem:s6+$0xFFFFFFFA ss:$0x81] =	vst.msk $0xff, v2  }
0x70: {  	v2 =	vld.msk [tilespmem:s7+$0xFFFFFFF0], $0xff;
	[tilespmem:s8+$0xFFFFFFF9 ss:$0x81] =	vst.msk $0xff, v0  }
0x71: {  	v0 =	vld.msk [tilespmem:s9+$0xFFFFFFE8], $0xff;
	[tilespmem:s14+$0xFFFFFFFD ss:$0x81] =	vst.msk $0xff, v3  }
0x72: {  	s10 =	sadd.s32 $0x40, s9;
	v3 =	vld.msk [tilespmem:s1+$0x8], $0xff  }
0x73: {  	[tilespmem:s25+$0xFFFFFFFC ss:$0x81] =	vst.msk $0xff, v1;
	v1 =	vld.msk [tilespmem:s10+$0xFFFFFFE0], $0xff  }
0x74: {  	v4 =	vld.msk [tilespmem:s5+$0x0], $0xff  }
0x75: {  	[tilespmem:s6+$0xFFFFFFFB ss:$0x81] =	vst.msk $0xff, v2  }
0x76: {  	v2 =	vld.msk [tilespmem:s7+$0xFFFFFFF8], $0xff;
	[tilespmem:s8+$0xFFFFFFFA ss:$0x81] =	vst.msk $0xff, v0  }
0x77: {  	s11 =	sadd.s32 $0x8, s8;
	v0 =	vld.msk [tilespmem:s9+$0xFFFFFFF0], $0xff;
	[tilespmem:s14+$0xFFFFFFFE ss:$0x81] =	vst.msk $0xff, v3  }
0x78: {  	[tilespmem:s11+$0xFFFFFFF9 ss:$0x81] =	vst.msk $0xff, v1;
	v1 =	vld.msk [tilespmem:s1+$0x10], $0xff  }
0x79: {  	[tilespmem:s25+$0xFFFFFFFD ss:$0x81] =	vst.msk $0xff, v4;
	v3 =	vld.msk [tilespmem:s10+$0xFFFFFFE8], $0xff  }
0x7a: {  	s12 =	sadd.s32 $0x40, s10;
	v4 =	vld.msk [tilespmem:s5+$0x8], $0xff  }
0x7b: {  	[tilespmem:s6+$0xFFFFFFFC ss:$0x81] =	vst.msk $0xff, v2;
	v2 =	vld.msk [tilespmem:s12+$0xFFFFFFE0], $0xff  }
0x7c: {  	v5 =	vld.msk [tilespmem:s7+$0x0], $0xff;
	[tilespmem:s8+$0xFFFFFFFB ss:$0x81] =	vst.msk $0xff, v0  }
0x7d: {  	v6 =	vld.msk [tilespmem:s9+$0xFFFFFFF8], $0xff;
	[tilespmem:s14+$0xFFFFFFFF ss:$0x81] =	vst.msk $0xff, v1  }
0x7e: {  	[tilespmem:s11+$0xFFFFFFFA ss:$0x81] =	vst.msk $0xff, v3;
	v0 =	vld.msk [tilespmem:s1+$0x18], $0xff  }
0x7f: {  	s13 =	sadd.s32 $0x8, s11;
	[tilespmem:s25+$0xFFFFFFFE ss:$0x81] =	vst.msk $0xff, v4;
	v3 =	vld.msk [tilespmem:s10+$0xFFFFFFF0], $0xff  }
0x80: {  	[tilespmem:s13+$0xFFFFFFF9 ss:$0x81] =	vst.msk $0xff, v2;
	v1 =	vld.msk [tilespmem:s5+$0x10], $0xff  }
0x81: {  	[tilespmem:s6+$0xFFFFFFFD ss:$0x81] =	vst.msk $0xff, v5;
	v4 =	vld.msk [tilespmem:s12+$0xFFFFFFE8], $0xff  }
0x82: {  	s15 =	simm.s32 $0x28;
	s0 =	smov.u32 s14;
	s16 =	sadd.s32 $0x40, s12;
	v2 =	vld.msk [tilespmem:s7+$0x8], $0xff;
	[tilespmem:s8+$0xFFFFFFFC ss:$0x81] =	vst.msk $0xff, v6  }
.LBB1_6:
0x83: {  	v5 =	vld.msk [tilespmem:s16+$0xFFFFFFE0], $0xff;
	[tilespmem:s0+$0x0 ss:$0x81] =	vst.msk $0xff, v0;
	s0 =	smov.u32 s25;
	s25 =	smov.u32 s6;
	s6 =	smov.u32 s8  }
0x84: {  	s15 =	sadd.s32 $0x8, s15;
	s8 =	smov.u32 s11;
	[tilespmem:s11+$0xFFFFFFFB ss:$0x81] =	vst.msk $0xff, v3;
	v6 =	vld.msk [tilespmem:s9+$0x0], $0xff;
	s11 =	smov.u32 s13  }
0x85: {  	p1 =	slt.u32 s15, $0x78;
	v7 =	vld.msk [tilespmem:s10+$0xFFFFFFF8], $0xff;
	[tilespmem:s0+$0xFFFFFFFF ss:$0x81] =	vst.msk $0xff, v1  }
.Ltmp4:
0x86: {  	[tilespmem:s13+$0xFFFFFFFA ss:$0x81] =	vst.msk $0xff, v4;
	v0 =	vld.msk [tilespmem:s5+$0x18], $0xff;
	s5 =	smov.u32 s7;
	s7 =	smov.u32 s9;
	(pc) =	sbr.rel @p1 .LBB1_6-.Ltmp4, $4  }
0x87: {  	s13 =	sadd.s32 $0x8, s13;
	s9 =	smov.u32 s10;
	s10 =	smov.u32 s12;
	v3 =	vld.msk [tilespmem:s12+$0xFFFFFFF0], $0xff;
	[tilespmem:s25+$0xFFFFFFFE ss:$0x81] =	vst.msk $0xff, v2  }
0x88: {  	s12 =	smov.u32 s16;
	[tilespmem:s13+$0xFFFFFFF9 ss:$0x81] =	vst.msk $0xff, v5;
	v1 =	vld.msk [tilespmem:s5+$0x10], $0xff  }
0x89: {  	v4 =	vld.msk [tilespmem:s16+$0xFFFFFFE8], $0xff;
	[tilespmem:s6+$0xFFFFFFFD ss:$0x81] =	vst.msk $0xff, v6  }
0x8a: {  	s16 =	sadd.s32 $0x40, s16;
	[tilespmem:s8+$0xFFFFFFFC ss:$0x81] =	vst.msk $0xff, v7;
	v2 =	vld.msk [tilespmem:s7+$0x8], $0xff  }
0x8b: {  	_ =	sdelay $0x2  }
0x8c: {  	[tilespmem:s13+$0xFFFFFFFA ss:$0x81] =	vst.msk $0xff, v4  }
0x8d: {  	v4 =	vld.msk [tilespmem:s12+$0xFFFFFFF0], $0xff;
	_ =	sdelay $0x3  }
0x8e: {  	[tilespmem:s11+$0xFFFFFFFB ss:$0x81] =	vst.msk $0xff, v3  }
0x8f: {  	v3 =	vld.msk [tilespmem:s10+$0xFFFFFFF8], $0xff;
	[tilespmem:s13+$0xFFFFFFFB ss:$0x81] =	vst.msk $0xff, v4  }
0x90: {  	v4 =	vld.msk [tilespmem:s12+$0xFFFFFFF8], $0xff;
	_ =	sdelay $0x3  }
0x91: {  	v5 =	vld.msk [tilespmem:s9+$0x0], $0xff;
	[tilespmem:s11+$0xFFFFFFFC ss:$0x81] =	vst.msk $0xff, v3  }
0x92: {  	v3 =	vld.msk [tilespmem:s10+$0x0], $0xff;
	[tilespmem:s13+$0xFFFFFFFC ss:$0x81] =	vst.msk $0xff, v4  }
0x93: {  	v4 =	vld.msk [tilespmem:s12+$0x0], $0xff;
	_ =	sdelay $0x2  }
0x94: {  	[tilespmem:s8+$0xFFFFFFFD ss:$0x81] =	vst.msk $0xff, v5  }
0x95: {  	v5 =	vld.msk [tilespmem:s9+$0x8], $0xff;
	[tilespmem:s11+$0xFFFFFFFD ss:$0x81] =	vst.msk $0xff, v3  }
0x96: {  	v3 =	vld.msk [tilespmem:s10+$0x8], $0xff;
	[tilespmem:s13+$0xFFFFFFFD ss:$0x81] =	vst.msk $0xff, v4  }
0x97: {  	v4 =	vld.msk [tilespmem:s12+$0x8], $0xff;
	_ =	sdelay $0x1  }
0x98: {  	[tilespmem:s6+$0xFFFFFFFE ss:$0x81] =	vst.msk $0xff, v2  }
0x99: {  	v2 =	vld.msk [tilespmem:s7+$0x10], $0xff;
	[tilespmem:s8+$0xFFFFFFFE ss:$0x81] =	vst.msk $0xff, v5  }
0x9a: {  	v5 =	vld.msk [tilespmem:s9+$0x10], $0xff;
	[tilespmem:s11+$0xFFFFFFFE ss:$0x81] =	vst.msk $0xff, v3  }
0x9b: {  	v3 =	vld.msk [tilespmem:s10+$0x10], $0xff;
	[tilespmem:s13+$0xFFFFFFFE ss:$0x81] =	vst.msk $0xff, v4  }
0x9c: {  	v4 =	vld.msk [tilespmem:s12+$0x10], $0xff  }
0x9d: {  	[tilespmem:s25+$0xFFFFFFFF ss:$0x81] =	vst.msk $0xff, v1  }
0x9e: {  	v1 =	vld.msk [tilespmem:s5+$0x18], $0xff;
	[tilespmem:s6+$0xFFFFFFFF ss:$0x81] =	vst.msk $0xff, v2  }
0x9f: {  	v2 =	vld.msk [tilespmem:s7+$0x18], $0xff;
	[tilespmem:s8+$0xFFFFFFFF ss:$0x81] =	vst.msk $0xff, v5  }
0xa0: {  	v61 =	vld.msk [tilespmem:s9+$0x18], $0xff;
	[tilespmem:s11+$0xFFFFFFFF ss:$0x81] =	vst.msk $0xff, v3  }
0xa1: {  	s2 =	sadd.s32 $0x1, s2;
	v62 =	vld.msk [tilespmem:s10+$0x18], $0xff;
	[tilespmem:s13+$0xFFFFFFFF ss:$0x81] =	vst.msk $0xff, v4  }
0xa2: {  	[tilespmem:s0+$0x0 ss:$0x81] =	vst.msk $0xff, v0;
	p1 =	sne.s32 s2, $0x10;
	v63 =	vld.msk [tilespmem:s12+$0x18], $0xff  }
.Ltmp5:
0xa3: {  	[tilespmem:s25+$0x0 ss:$0x81] =	vst.msk $0xff, v1;
	(pc) =	sbr.rel @p1 .LBB1_5-.Ltmp5, $4  }
0xa4: {  	[tilespmem:s6+$0x0 ss:$0x81] =	vst.msk $0xff, v2  }
0xa5: {  	[tilespmem:s8+$0x0 ss:$0x81] =	vst.msk $0xff, v61  }
0xa6: {  	[tilespmem:s11+$0x0 ss:$0x81] =	vst.msk $0xff, v62  }
0xa7: {  	s14 =	sadd.s32 $0x408, s14;
	s1 =	sadd.s32 $0x400, s1;
	[tilespmem:s13+$0x0 ss:$0x81] =	vst.msk $0xff, v63  }
0xa8: {  	s0 =	sshll.u32 s29, $0x3  }
0xa9: {  	s1 =	sand.u32 $0x78, s29;
	s15 =	sshll.u32 s30, $0xB;
	s2 =	sand.u32 $0x700, s29  }
.Ltmp6:
0xaa: {  	s5 =	rddreg [dreg:$0x1];
	s0 =	sand.u32 $0x400, s0;
	(pc) =	sbr.rel .LBB1_9-.Ltmp6, $4  }
0xab: {  	s16 =	sand.u32 $0x7, s29;
	s0 =	sor.u32 s1, s0;
	s1 =	sadd.s32 s5, s15  }
0xac: {  	s25 =	sshll.u32 s16, $0x12;
	s0 =	sshrl.u32 s0, $0x3;
	s1 =	sadd.s32 s2, s1  }
0xad: {  	s30 =	simm.s32 $0x4000;
	s29 =	sor.u32 $0x400, s25;
	s0 =	sadd.s32 s0, s1  }
0xae: {  	[hbm4b:s0+s29] =	stream.strided.scatter [tilespmem:s31], [sflag:$0x2], $0x4000, s30, s29, $0x20;
	[tilespmem:$0x10100] =	vst v63  }
.LBB1_10:
0xaf: {  	_ =	sfence.sel $0x180000  }
0xb0: {  	s0 =	simm.s32 $0x1;
	[bflag:$0x0] =	sbarrier.arrive $0xFFFF  }
0xb1: {  	s30 =	simm.s32 $0x2;
	[sflag:s0] =	ssyncpa.u1 $0x1  }
0xb2: {  	[sflag:s30] =	ssyncpa.u1 $0x1  }
0xb3: {  	_ =	strace $0x9000004A  }
0xb4: {  	s31 =	stileid.u32;
	[bflag:$0x2] =	sbarrier.arrive $0xFFFF  }
0xb5: {  	p0 =	sne.s32 s31, $0x0;
	s0 =	rddreg [dreg:$0x2]  }
0xb6: {  	s0 =	sadd.s32 @!p0 $0x100000, s0  }
0xb7: {  	[sflag:s0] =	ssyncadd.tile.s32 @!p0 $0x1;
	_ =	shalt  }
.Lfunc_end1:
_tile_overlayer_lowered:
.L_overlay_start_2:
0xb8: {  	(tag) =	ssettag $0x2  }
0xb9: {  	s0 =	rddreg [dreg:$0x0];
	s2 =	stileid.u32  }
0xba: {  	s1 =	rddreg [dreg:$0x1];
	p0 =	sne.s32 s2, $0x0  }
0xbb: {  	s3 =	rddreg [dreg:$0x2];
	[bflag:$0x3] =	sbarrier.arrive $0xFFFF;
	s2 =	simm.s32 @!p0 $0x1C01  }
0xbc: {  	[timem:s3], [sflag:s2] =	dma.local @!p0 [hbm:s0], s1  }
0xbd: {  	s0 =	simm.s32 @!p0 $0x1  }
0xbe: {  	_ =	swait.ge @!p0 [sflag:s0], s1  }
0xbf: {  	s1 =	ssub.s32 @!p0 $0x0, s1;
	[sflag:s0] =	ssyncset.done @!p0 $0x0  }
0xc0: {  	[sflag:s0] =	ssyncadd.s32 @!p0 s1  }
0xc1: {  	[bflag:$0x3] =	sbarrier.arrive $0xFFFF  }
0xc2: {  	_ =	shalt  }

</sc_bundles>
